<compile_context>
chip_gen: v7x
topology: tpu7x:2x2x1
jax: 0.10.2.dev20260603
libtpu: 0.0.44.dev20260713+nightly
codegen_flags: <defaults>
</compile_context>

<pallas_src>
import functools

import jax
import jax.numpy as jnp
from jax import lax
from jax.experimental import pallas as pl
from jax.experimental.pallas import tpu as pltpu
from jax.experimental.pallas import tpu_sc as plsc

N_NODES = 10000
N_EDGES = 320000
D = 128
NPAD = 10240
CR = NPAD // D
NC = 2
NS = 16
EPT = N_EDGES // NS
K = 128
NCH = EPT // K
KT = EPT - NCH * K
ROWS_PT = NPAD // NS


def _sc_body(x_hbm, e0_hbm, e1_hbm, s_hbm, cnt_hbm,
             sb0, sb1, sb2, sb3, db0, db1, db2, db3, srct_v, dstt_v,
             rows0, rows1, cnt_v, iota_v, acc_sh, cnt_sh,
             si0, si1, si2, si3, sg0, sg1, ss0, ss1, sem_t):
    c = lax.axis_index("c")
    s = lax.axis_index("s")
    srcb = (sb0, sb1, sb2, sb3)
    dstb = (db0, db1, db2, db3)
    rows = (rows0, rows1)
    semi = (si0, si1, si2, si3)
    semg = (sg0, sg1)
    sems = (ss0, ss1)

    zero16 = jnp.zeros((16,), jnp.float32)

    def _zero_local():
        for rv in rows:
            def zrow(r, carry, rv=rv):
                def zcol(q, carry2):
                    rv[r, pl.ds(q * 16, 16)] = zero16
                    return carry2
                return lax.fori_loop(0, D // 16, zcol, carry)
            lax.fori_loop(0, K, zrow, 0)

        def zcnt(r, carry):
            def zcol(q, carry2):
                cnt_v[r, pl.ds(q * 16, 16)] = zero16
                return carry2
            return lax.fori_loop(0, D // 16, zcol, carry)
        lax.fori_loop(0, CR, zcnt, 0)

    def _zero_shared():
        def zslice(r, carry):
            pltpu.sync_copy(rows0, acc_sh.at[pl.ds(s * ROWS_PT + r * K, K)])
            return carry
        lax.fori_loop(0, ROWS_PT // K, zslice, 0)

        @pl.when(s < CR // 8)
        def _zero_cnt():
            pltpu.sync_copy(rows0.at[pl.ds(0, 8)], cnt_sh.at[pl.ds(s * 8, 8)])

    _zero_local()
    for q in range(5):
        iota_v[pl.ds(q * 16, 16)] = lax.iota(jnp.int32, 16) + q * 16
    _zero_shared()
    plsc.subcore_barrier()

    def _count(dst_ref, nvec):
        for q in range(nvec):
            dv = dst_ref[pl.ds(q * 16, 16)]
            occ, last = plsc.scan_count(dv)
            row = lax.shift_right_logical(dv, 7)
            col = lax.bitwise_and(dv, 127)
            plsc.addupdate_scatter(cnt_v, [row, col],
                                   occ.astype(jnp.float32), mask=last)

    if True:
        def _issue_idx(j, slot):
            @pl.when(c == 0)
            def _i0():
                pltpu.async_copy(e0_hbm.at[0, s, pl.ds(j * K, K)], srcb[slot], semi[slot])
                pltpu.async_copy(e0_hbm.at[1, s, pl.ds(j * K, K)], dstb[slot], semi[slot])

            @pl.when(c == 1)
            def _i1():
                pltpu.async_copy(e1_hbm.at[0, s, pl.ds(j * K, K)], srcb[slot], semi[slot])
                pltpu.async_copy(e1_hbm.at[1, s, pl.ds(j * K, K)], dstb[slot], semi[slot])

        def _wait_idx(j, slot):
            pltpu.make_async_copy(e0_hbm.at[0, s, pl.ds(j * K, K)], srcb[slot],
                                  semi[slot]).wait()
            pltpu.make_async_copy(e0_hbm.at[1, s, pl.ds(j * K, K)], dstb[slot],
                                  semi[slot]).wait()

        _issue_idx(0, 0)
        _issue_idx(1, 1)
        _wait_idx(0, 0)
        pltpu.async_copy(x_hbm.at[srcb[0]], rows[0], semg[0])

        def group(g, carry):
            for b in range(4):
                j = 4 * g + b
                rb = b % 2
                rb1 = (b + 1) % 2

                @pl.when(j < NCH - 1)
                def _advance():
                    _wait_idx(j + 1, (b + 1) % 4)

                    @pl.when(j >= 1)
                    def _drain_prev():
                        pltpu.make_async_copy(
                            rows[rb1], acc_sh.at[dstb[(b + 3) % 4]],
                            sems[rb1]).wait()

                    @pl.when(j < NCH - 2)
                    def _prefetch():
                        _issue_idx(j + 2, (b + 2) % 4)

                    pltpu.async_copy(x_hbm.at[srcb[(b + 1) % 4]], rows[rb1],
                                     semg[rb1])

                pltpu.make_async_copy(x_hbm.at[srcb[b]], rows[rb],
                                      semg[rb]).wait()
                pltpu.async_copy(rows[rb], acc_sh.at[dstb[b]], sems[rb], add=True)
                _count(dstb[b], K // 16)
            return carry
        lax.fori_loop(0, NCH // 4, group, 0)

        pltpu.make_async_copy(rows[0], acc_sh.at[dstb[2]], sems[0]).wait()
        pltpu.make_async_copy(rows[1], acc_sh.at[dstb[3]], sems[1]).wait()

        tb = NCH * K

        @pl.when(c == 0)
        def _t0():
            pltpu.sync_copy(e0_hbm.at[0, s, pl.ds(tb, KT)], srct_v)
            pltpu.sync_copy(e0_hbm.at[1, s, pl.ds(tb, KT)], dstt_v)

        @pl.when(c == 1)
        def _t1():
            pltpu.sync_copy(e1_hbm.at[0, s, pl.ds(tb, KT)], srct_v)
            pltpu.sync_copy(e1_hbm.at[1, s, pl.ds(tb, KT)], dstt_v)
        pltpu.async_copy(x_hbm.at[srct_v], rows0.at[pl.ds(0, KT)], sem_t).wait()
        pltpu.async_copy(rows0.at[pl.ds(0, KT)], acc_sh.at[dstt_v], sem_t,
                         add=True).wait()
        _count(dstt_v, KT // 16)

        pltpu.sync_copy(cnt_v, cnt_sh.at[iota_v], add=True)
        plsc.subcore_barrier()

        pltpu.sync_copy(acc_sh.at[pl.ds(s * ROWS_PT, ROWS_PT)],
                        s_hbm.at[c, pl.ds(s * ROWS_PT, ROWS_PT)])

        @pl.when(s < CR // 8)
        def _write_cnt():
            pltpu.sync_copy(cnt_sh.at[pl.ds(s * 8, 8)],
                            cnt_hbm.at[c, pl.ds(s * 8, 8)])



_sc_aggregate = functools.partial(
    pl.kernel,
    out_type=(jax.ShapeDtypeStruct((NC, NPAD, D), jnp.float32),
              jax.ShapeDtypeStruct((NC, CR, D), jnp.float32)),
    mesh=plsc.VectorSubcoreMesh(core_axis_name="c", subcore_axis_name="s",
                                num_cores=2),
    scratch_types=(
        [pltpu.VMEM((K,), jnp.int32)] * 4
        + [pltpu.VMEM((K,), jnp.int32)] * 4
        + [pltpu.VMEM((KT,), jnp.int32)] * 2
        + [pltpu.VMEM((K, D), jnp.float32)] * 2
        + [
            pltpu.VMEM((CR, D), jnp.float32),
            pltpu.VMEM((CR,), jnp.int32),
            pltpu.VMEM_SHARED((NPAD, D), jnp.float32),
            pltpu.VMEM_SHARED((CR, D), jnp.float32),
        ]
        + [pltpu.SemaphoreType.DMA] * 9
    ),
    compiler_params=pltpu.CompilerParams(needs_layout_passes=False),
)(_sc_body)


RB = 1000


def _tc_body(a0_ref, a1_ref, c0_ref, c1_ref, w0_ref, w1_ref, o_ref):
    s0 = a0_ref[0] / jnp.maximum(c0_ref[0], 1.0)
    s1 = a1_ref[0] / jnp.maximum(c1_ref[0], 1.0)
    dn = (((1,), (1,)), ((), ()))
    o_ref[...] = (
        lax.dot_general(s0, w0_ref[...], dn, preferred_element_type=jnp.float32)
        + lax.dot_general(s1, w1_ref[...], dn, preferred_element_type=jnp.float32)
    )


def kernel(x, edge_index_e0, edge_index_e1, W0, W1):
    e0 = edge_index_e0.reshape(2, NS, EPT)
    e1 = edge_index_e1.reshape(2, NS, EPT)

    acc, cnt = _sc_aggregate(x, e0, e1)
    cntc = cnt.reshape(NC, NPAD, 1)

    h = pl.pallas_call(
        _tc_body,
        grid=(N_NODES // RB,),
        in_specs=[
            pl.BlockSpec((1, RB, D), lambda i: (0, i, 0)),
            pl.BlockSpec((1, RB, D), lambda i: (1, i, 0)),
            pl.BlockSpec((1, RB, 1), lambda i: (0, i, 0)),
            pl.BlockSpec((1, RB, 1), lambda i: (1, i, 0)),
            pl.BlockSpec((D, D), lambda i: (0, 0)),
            pl.BlockSpec((D, D), lambda i: (0, 0)),
        ],
        out_specs=pl.BlockSpec((RB, D), lambda i: (i, 0)),
        out_shape=jax.ShapeDtypeStruct((N_NODES, D), jnp.float32),
    )(acc, acc, cntc, cntc, W0, W1)
    return h

# --- scband reference (transcript-rebuilt; emitter-appended) ---
"""Pipeline reference for scband-hetero-mpnnblock-simp-35192962023431 (READ-ONLY COPY).

The authoritative reference and input builder live on the scoring server;
editing this copy changes nothing except your own understanding.
"""

import jax, jax.numpy as jnp
import numpy as np

N_NODES = 10000
N_EDGES = 320000
D = 128
DE = 128


def setup_inputs(seed: int = 0) -> dict:
    key = jax.random.key(seed)
    k1, k2, k3, k4, k5 = jax.random.split(key, 5)
    x = jax.random.normal(k1, (N_NODES, D), dtype=jnp.float32)
    edge_index_e0 = jax.random.randint(k2, (2, N_EDGES), 0, N_NODES, dtype=jnp.int32)
    edge_index_e1 = jax.random.randint(k3, (2, N_EDGES), 0, N_NODES, dtype=jnp.int32)
    # edge_transform weights (nn.Linear(hidden_dim, hidden_edim, bias=False)) per edge type
    W0 = jax.random.normal(k4, (DE, D), dtype=jnp.float32) / jnp.sqrt(D)
    W1 = jax.random.normal(k5, (DE, D), dtype=jnp.float32) / jnp.sqrt(D)
    return {"x": x, "edge_index_e0": edge_index_e0, "edge_index_e1": edge_index_e1, "W0": W0, "W1": W1}


def reference(x, edge_index_e0, edge_index_e1, W0, W1):
    # HeteroMPNNBlockSimp.forward: for each etype, message = Linear(h_src) (no bias),
    # per-etype mean aggregation over incoming edges, then 'sum' cross-etype reduce.
    # (apply_nodes / self-loop / activation are NOT invoked in this forward.)
    N = x.shape[0]

    def per_etype(edge_index, W):
        src = edge_index[0]
        dst = edge_index[1]
        msg = x[src] @ W.T  # gather + edge linear transform
        summed = jax.ops.segment_sum(msg, dst, num_segments=N)
        cnt = jax.ops.segment_sum(jnp.ones((edge_index.shape[1],), dtype=msg.dtype), dst, num_segments=N)
        # dgl mean: nodes with zero in-edges get 0 (summed is already 0 there)
        return summed / jnp.clip(cnt, 1.0)[:, None]

    h = per_etype(edge_index_e0, W0) + per_etype(edge_index_e1, W1)
    return h

if __name__ == "__main__":
    import jax
    _d = setup_inputs()
    print(jax.jit(kernel)(*tuple(_d.values())))

</pallas_src>

<mosaic_0001>
#map = affine_map<(d0, d1) -> (0, 0)>
#map1 = affine_map<(d0, d1) -> (0, 0, 0)>
module attributes {stable_mosaic.version = 14 : i64} {
  func.func @_sc_body(%arg0: i32, %arg1: i32, %arg2: memref<10000x128xf32, #tpu.memory_space<hbm>>, %arg3: memref<2x16x20000xi32, #tpu.memory_space<hbm>>, %arg4: memref<2x16x20000xi32, #tpu.memory_space<hbm>>, %arg5: memref<2x10240x128xf32, #tpu.memory_space<hbm>>, %arg6: memref<2x80x128xf32, #tpu.memory_space<hbm>>, %arg7: memref<128xi32, #tpu.memory_space<vmem>>, %arg8: memref<128xi32, #tpu.memory_space<vmem>>, %arg9: memref<128xi32, #tpu.memory_space<vmem>>, %arg10: memref<128xi32, #tpu.memory_space<vmem>>, %arg11: memref<128xi32, #tpu.memory_space<vmem>>, %arg12: memref<128xi32, #tpu.memory_space<vmem>>, %arg13: memref<128xi32, #tpu.memory_space<vmem>>, %arg14: memref<128xi32, #tpu.memory_space<vmem>>, %arg15: memref<32xi32, #tpu.memory_space<vmem>>, %arg16: memref<32xi32, #tpu.memory_space<vmem>>, %arg17: memref<128x128xf32, #tpu.memory_space<vmem>>, %arg18: memref<128x128xf32, #tpu.memory_space<vmem>>, %arg19: memref<80x128xf32, #tpu.memory_space<vmem>>, %arg20: memref<80xi32, #tpu.memory_space<vmem>>, %arg21: memref<10240x128xf32, #tpu.memory_space<vmem_shared>>, %arg22: memref<80x128xf32, #tpu.memory_space<vmem_shared>>, %arg23: memref<!tpu.dma_semaphore, #tpu.memory_space<semaphore_mem>>, %arg24: memref<!tpu.dma_semaphore, #tpu.memory_space<semaphore_mem>>, %arg25: memref<!tpu.dma_semaphore, #tpu.memory_space<semaphore_mem>>, %arg26: memref<!tpu.dma_semaphore, #tpu.memory_space<semaphore_mem>>, %arg27: memref<!tpu.dma_semaphore, #tpu.memory_space<semaphore_mem>>, %arg28: memref<!tpu.dma_semaphore, #tpu.memory_space<semaphore_mem>>, %arg29: memref<!tpu.dma_semaphore, #tpu.memory_space<semaphore_mem>>, %arg30: memref<!tpu.dma_semaphore, #tpu.memory_space<semaphore_mem>>, %arg31: memref<!tpu.dma_semaphore, #tpu.memory_space<semaphore_mem>>) attributes {dimension_semantics = [#tpu.dimension_semantics<core_parallel>, #tpu.dimension_semantics<subcore_parallel>], iteration_bounds = array<i64: 2, 16>, scalar_prefetch = 0 : i64, scratch_operands = 25 : i64, tpu.core_type = #tpu.core_type<sc_vector_subcore>, window_params = [{transform_indices = #map}, {transform_indices = #map1}, {transform_indices = #map1}, {transform_indices = #map1}, {transform_indices = #map1}]} {
    %broadcast_in_dim3A = arith.constant 0.000000e+00 : f32
    %broadcast_in_dim3A_0 = vector.broadcast %broadcast_in_dim3A : f32 to vector<16xf32>
    %scan3A = arith.constant 0 : i32
    %scan3A_1 = arith.constant 0 : i32
    %scan3A_2 = arith.constant 128 : i32
    %scan3A_3 = arith.addi %scan3A_1, %scan3A_2 : i32
    %scan3A_4 = arith.constant 1 : i32
    scf.for %scan3A_164 = %scan3A_1 to %scan3A_3 step %scan3A_4  : i32 {
      %scan3A_165 = arith.constant 0 : i32
      %scan3A_166 = arith.constant 8 : i32
      %scan3A_167 = arith.addi %scan3A_165, %scan3A_166 : i32
      %scan3A_168 = arith.constant 1 : i32
      scf.for %scan3A_170 = %scan3A_165 to %scan3A_167 step %scan3A_168  : i32 {
        %mul3A_171 = arith.constant 16 : i32
        %mul3A_172 = arith.muli %scan3A_170, %mul3A_171 : i32
        %swap3A_173 = arith.index_cast %scan3A_164 : i32 to index
        %swap3A_174 = arith.index_cast %mul3A_172 : i32 to index
        %swap3A_175 = tpu.vector_load %arg17[%swap3A_173, %swap3A_174] {strides = array<i32>} : memref<128x128xf32, #tpu.memory_space<vmem>>, vector<16xf32>,
        tpu.vector_store %arg17[%swap3A_173, %swap3A_174], %broadcast_in_dim3A_0 {strides = array<i32>} : memref<128x128xf32, #tpu.memory_space<vmem>>, vector<16xf32>,
      }
      %scan3A_169 = arith.constant 8 : i32
    }
    %scan3A_5 = arith.constant 128 : i32
    %scan3A_6 = arith.constant 0 : i32
    %scan3A_7 = arith.constant 0 : i32
    %scan3A_8 = arith.constant 128 : i32
    %scan3A_9 = arith.addi %scan3A_7, %scan3A_8 : i32
    %scan3A_10 = arith.constant 1 : i32
    scf.for %scan3A_164 = %scan3A_7 to %scan3A_9 step %scan3A_10  : i32 {
      %scan3A_165 = arith.constant 0 : i32
      %scan3A_166 = arith.constant 8 : i32
      %scan3A_167 = arith.addi %scan3A_165, %scan3A_166 : i32
      %scan3A_168 = arith.constant 1 : i32
      scf.for %scan3A_170 = %scan3A_165 to %scan3A_167 step %scan3A_168  : i32 {
        %mul3A_171 = arith.constant 16 : i32
        %mul3A_172 = arith.muli %scan3A_170, %mul3A_171 : i32
        %swap3A_173 = arith.index_cast %scan3A_164 : i32 to index
        %swap3A_174 = arith.index_cast %mul3A_172 : i32 to index
        %swap3A_175 = tpu.vector_load %arg18[%swap3A_173, %swap3A_174] {strides = array<i32>} : memref<128x128xf32, #tpu.memory_space<vmem>>, vector<16xf32>,
        tpu.vector_store %arg18[%swap3A_173, %swap3A_174], %broadcast_in_dim3A_0 {strides = array<i32>} : memref<128x128xf32, #tpu.memory_space<vmem>>, vector<16xf32>,
      }
      %scan3A_169 = arith.constant 8 : i32
    }
    %scan3A_11 = arith.constant 128 : i32
    %scan3A_12 = arith.constant 0 : i32
    %scan3A_13 = arith.constant 0 : i32
    %scan3A_14 = arith.constant 80 : i32
    %scan3A_15 = arith.addi %scan3A_13, %scan3A_14 : i32
    %scan3A_16 = arith.constant 1 : i32
    scf.for %scan3A_164 = %scan3A_13 to %scan3A_15 step %scan3A_16  : i32 {
      %scan3A_165 = arith.constant 0 : i32
      %scan3A_166 = arith.constant 8 : i32
      %scan3A_167 = arith.addi %scan3A_165, %scan3A_166 : i32
      %scan3A_168 = arith.constant 1 : i32
      scf.for %scan3A_170 = %scan3A_165 to %scan3A_167 step %scan3A_168  : i32 {
        %mul3A_171 = arith.constant 16 : i32
        %mul3A_172 = arith.muli %scan3A_170, %mul3A_171 : i32
        %swap3A_173 = arith.index_cast %scan3A_164 : i32 to index
        %swap3A_174 = arith.index_cast %mul3A_172 : i32 to index
        %swap3A_175 = tpu.vector_load %arg19[%swap3A_173, %swap3A_174] {strides = array<i32>} : memref<80x128xf32, #tpu.memory_space<vmem>>, vector<16xf32>,
        tpu.vector_store %arg19[%swap3A_173, %swap3A_174], %broadcast_in_dim3A_0 {strides = array<i32>} : memref<80x128xf32, #tpu.memory_space<vmem>>, vector<16xf32>,
      }
      %scan3A_169 = arith.constant 8 : i32
    }
    %scan3A_17 = arith.constant 80 : i32
    %iota3A = tpu.iota {dimensions = array<i32: 0>} : vector<16xi32>
    %add3A = arith.constant 0 : i32
    %add3A_18 = vector.broadcast %add3A : i32 to vector<16xi32>
    %add3A_19 = arith.addi %iota3A, %add3A_18 : vector<16xi32>
    %swap3A = arith.constant 0 : index
    %swap3A_20 = tpu.vector_load %arg20[%swap3A] {strides = array<i32>} : memref<80xi32, #tpu.memory_space<vmem>>, vector<16xi32>,
    tpu.vector_store %arg20[%swap3A], %add3A_19 {strides = array<i32>} : memref<80xi32, #tpu.memory_space<vmem>>, vector<16xi32>,
    %iota3A_21 = tpu.iota {dimensions = array<i32: 0>} : vector<16xi32>
    %add3A_22 = arith.constant 16 : i32
    %add3A_23 = vector.broadcast %add3A_22 : i32 to vector<16xi32>
    %add3A_24 = arith.addi %iota3A_21, %add3A_23 : vector<16xi32>
    %swap3A_25 = arith.constant 16 : index
    %swap3A_26 = tpu.vector_load %arg20[%swap3A_25] {strides = array<i32>} : memref<80xi32, #tpu.memory_space<vmem>>, vector<16xi32>,
    tpu.vector_store %arg20[%swap3A_25], %add3A_24 {strides = array<i32>} : memref<80xi32, #tpu.memory_space<vmem>>, vector<16xi32>,
    %iota3A_27 = tpu.iota {dimensions = array<i32: 0>} : vector<16xi32>
    %add3A_28 = arith.constant 32 : i32
    %add3A_29 = vector.broadcast %add3A_28 : i32 to vector<16xi32>
    %add3A_30 = arith.addi %iota3A_27, %add3A_29 : vector<16xi32>
    %swap3A_31 = arith.constant 32 : index
    %swap3A_32 = tpu.vector_load %arg20[%swap3A_31] {strides = array<i32>} : memref<80xi32, #tpu.memory_space<vmem>>, vector<16xi32>,
    tpu.vector_store %arg20[%swap3A_31], %add3A_30 {strides = array<i32>} : memref<80xi32, #tpu.memory_space<vmem>>, vector<16xi32>,
    %iota3A_33 = tpu.iota {dimensions = array<i32: 0>} : vector<16xi32>
    %add3A_34 = arith.constant 48 : i32
    %add3A_35 = vector.broadcast %add3A_34 : i32 to vector<16xi32>
    %add3A_36 = arith.addi %iota3A_33, %add3A_35 : vector<16xi32>
    %swap3A_37 = arith.constant 48 : index
    %swap3A_38 = tpu.vector_load %arg20[%swap3A_37] {strides = array<i32>} : memref<80xi32, #tpu.memory_space<vmem>>, vector<16xi32>,
    tpu.vector_store %arg20[%swap3A_37], %add3A_36 {strides = array<i32>} : memref<80xi32, #tpu.memory_space<vmem>>, vector<16xi32>,
    %iota3A_39 = tpu.iota {dimensions = array<i32: 0>} : vector<16xi32>
    %add3A_40 = arith.constant 64 : i32
    %add3A_41 = vector.broadcast %add3A_40 : i32 to vector<16xi32>
    %add3A_42 = arith.addi %iota3A_39, %add3A_41 : vector<16xi32>
    %swap3A_43 = arith.constant 64 : index
    %swap3A_44 = tpu.vector_load %arg20[%swap3A_43] {strides = array<i32>} : memref<80xi32, #tpu.memory_space<vmem>>, vector<16xi32>,
    tpu.vector_store %arg20[%swap3A_43], %add3A_42 {strides = array<i32>} : memref<80xi32, #tpu.memory_space<vmem>>, vector<16xi32>,
    %scan3A_45 = arith.constant 0 : i32
    %scan3A_46 = arith.constant 0 : i32
    %scan3A_47 = arith.constant 5 : i32
    %scan3A_48 = arith.addi %scan3A_46, %scan3A_47 : i32
    %scan3A_49 = arith.constant 1 : i32
    scf.for %scan3A_164 = %scan3A_46 to %scan3A_48 step %scan3A_49  : i32 {
      %mul3A_165 = arith.constant 640 : i32
      %mul3A_166 = arith.muli %arg1, %mul3A_165 : i32
      %mul3A_167 = arith.constant 128 : i32
      %mul3A_168 = arith.muli %scan3A_164, %mul3A_167 : i32
      %add3A_169 = arith.addi %mul3A_166, %mul3A_168 : i32
      "tpu.region"() ({
        %run_scoped3A = tpu.sem_alloc : memref<!tpu.dma_semaphore, #tpu.memory_space<semaphore_mem>>
        %dma_start3A_170 = arith.constant 0 : i32
        %dma_start3A_171 = tpu.memref_slice %arg21[%add3A_169, %dma_start3A_170] : memref<10240x128xf32, #tpu.memory_space<vmem_shared>> -> memref<128x128xf32, #tpu.memory_space<vmem_shared>>
        %dma_start3A_172 = arith.constant 0 : i32
        %dma_start3A_173 = tpu.memref_slice %arg21[%add3A_169, %dma_start3A_172] : memref<10240x128xf32, #tpu.memory_space<vmem_shared>> -> memref<128x128xf32, #tpu.memory_space<vmem_shared>>
        tpu.enqueue_dma source(%arg17 : memref<128x128xf32, #tpu.memory_space<vmem>>) target(%dma_start3A_173 : memref<128x128xf32, #tpu.memory_space<vmem_shared>>) target_semaphore(%run_scoped3A : memref<!tpu.dma_semaphore, #tpu.memory_space<semaphore_mem>>)
        %dma_wait3A_174 = arith.constant 0 : i32
        %dma_wait3A_175 = tpu.memref_slice %arg21[%add3A_169, %dma_wait3A_174] : memref<10240x128xf32, #tpu.memory_space<vmem_shared>> -> memref<128x128xf32, #tpu.memory_space<vmem_shared>>
        %dma_wait3A_176 = arith.constant 0 : i32
        %dma_wait3A_177 = tpu.memref_slice %arg21[%add3A_169, %dma_wait3A_176] : memref<10240x128xf32, #tpu.memory_space<vmem_shared>> -> memref<128x128xf32, #tpu.memory_space<vmem_shared>>
        tpu.wait_dma2 semaphore(%run_scoped3A : memref<!tpu.dma_semaphore, #tpu.memory_space<semaphore_mem>>) src(%arg17 : memref<128x128xf32, #tpu.memory_space<vmem>>) dst(%dma_wait3A_177 : memref<128x128xf32, #tpu.memory_space<vmem_shared>>)
        tpu.yield
      }) : () -> ()
    }
    %scan3A_50 = arith.constant 5 : i32
    %lt3A = arith.constant 10 : i32
    %lt3A_51 = arith.cmpi slt, %arg1, %lt3A : i32
    %convert_element_type3A = arith.extui %lt3A_51 : i1 to i32
    %cond3A = arith.constant 0 : i32
    %cond3A_52 = arith.cmpi ne, %convert_element_type3A, %cond3A : i32
    scf.if %cond3A_52 {
      %mul3A_164 = arith.constant 8 : i32
      %mul3A_165 = arith.muli %arg1, %mul3A_164 : i32
      "tpu.region"() ({
        %run_scoped3A = tpu.sem_alloc : memref<!tpu.dma_semaphore, #tpu.memory_space<semaphore_mem>>
        %dma_start3A_166 = arith.constant 0 : i32
        %dma_start3A_167 = arith.constant 0 : i32
        %dma_start3A_168 = tpu.memref_slice %arg17[%dma_start3A_166, %dma_start3A_167] : memref<128x128xf32, #tpu.memory_space<vmem>> -> memref<8x128xf32, #tpu.memory_space<vmem>>
        %dma_start3A_169 = arith.constant 0 : i32
        %dma_start3A_170 = tpu.memref_slice %arg22[%mul3A_165, %dma_start3A_169] : memref<80x128xf32, #tpu.memory_space<vmem_shared>> -> memref<8x128xf32, #tpu.memory_space<vmem_shared>>
        %dma_start3A_171 = arith.constant 0 : i32
        %dma_start3A_172 = tpu.memref_slice %arg22[%mul3A_165, %dma_start3A_171] : memref<80x128xf32, #tpu.memory_space<vmem_shared>> -> memref<8x128xf32, #tpu.memory_space<vmem_shared>>
        %dma_start3A_173 = arith.constant 0 : i32
        %dma_start3A_174 = arith.constant 0 : i32
        %dma_start3A_175 = tpu.memref_slice %arg17[%dma_start3A_173, %dma_start3A_174] : memref<128x128xf32, #tpu.memory_space<vmem>> -> memref<8x128xf32, #tpu.memory_space<vmem>>
        tpu.enqueue_dma source(%dma_start3A_175 : memref<8x128xf32, #tpu.memory_space<vmem>>) target(%dma_start3A_172 : memref<8x128xf32, #tpu.memory_space<vmem_shared>>) target_semaphore(%run_scoped3A : memref<!tpu.dma_semaphore, #tpu.memory_space<semaphore_mem>>)
        %dma_wait3A_176 = arith.constant 0 : i32
        %dma_wait3A_177 = arith.constant 0 : i32
        %dma_wait3A_178 = tpu.memref_slice %arg17[%dma_wait3A_176, %dma_wait3A_177] : memref<128x128xf32, #tpu.memory_space<vmem>> -> memref<8x128xf32, #tpu.memory_space<vmem>>
        %dma_wait3A_179 = arith.constant 0 : i32
        %dma_wait3A_180 = tpu.memref_slice %arg22[%mul3A_165, %dma_wait3A_179] : memref<80x128xf32, #tpu.memory_space<vmem_shared>> -> memref<8x128xf32, #tpu.memory_space<vmem_shared>>
        %dma_wait3A_181 = arith.constant 0 : i32
        %dma_wait3A_182 = tpu.memref_slice %arg22[%mul3A_165, %dma_wait3A_181] : memref<80x128xf32, #tpu.memory_space<vmem_shared>> -> memref<8x128xf32, #tpu.memory_space<vmem_shared>>
        %dma_wait3A_183 = arith.constant 0 : i32
        %dma_wait3A_184 = arith.constant 0 : i32
        %dma_wait3A_185 = tpu.memref_slice %arg17[%dma_wait3A_183, %dma_wait3A_184] : memref<128x128xf32, #tpu.memory_space<vmem>> -> memref<8x128xf32, #tpu.memory_space<vmem>>
        tpu.wait_dma2 semaphore(%run_scoped3A : memref<!tpu.dma_semaphore, #tpu.memory_space<semaphore_mem>>) src(%dma_wait3A_185 : memref<8x128xf32, #tpu.memory_space<vmem>>) dst(%dma_wait3A_182 : memref<8x128xf32, #tpu.memory_space<vmem_shared>>)
        tpu.yield
      }) : () -> ()
    } else {
    }
    %barrier3A = arith.constant 0 : index
    tpu.barrier barrier_id(%barrier3A)
    %eq3A = arith.constant 0 : i32
    %eq3A_53 = arith.cmpi eq, %arg0, %eq3A : i32
    %convert_element_type3A_54 = arith.extui %eq3A_53 : i1 to i32
    %cond3A_55 = arith.constant 0 : i32
    %cond3A_56 = arith.cmpi ne, %convert_element_type3A_54, %cond3A_55 : i32
    scf.if %cond3A_56 {
      %dma_start3A_164 = arith.constant 0 : i32
      %dma_start3A_165 = arith.constant 0 : i32
      %dma_start3A_166 = tpu.memref_slice %arg3[%dma_start3A_164, %arg1, %dma_start3A_165] : memref<2x16x20000xi32, #tpu.memory_space<hbm>> -> memref<1x1x128xi32, #tpu.memory_space<hbm>>
      %dma_start3A_167 = tpu.memref_squeeze %dma_start3A_166 : memref<1x1x128xi32, #tpu.memory_space<hbm>> -> memref<128xi32, #tpu.memory_space<hbm>>
      %dma_start3A_168 = arith.constant 0 : i32
      %dma_start3A_169 = tpu.memref_slice %arg3[%dma_start3A_164, %arg1, %dma_start3A_168] : memref<2x16x20000xi32, #tpu.memory_space<hbm>> -> memref<1x1x128xi32, #tpu.memory_space<hbm>>
      %dma_start3A_170 = tpu.memref_squeeze %dma_start3A_169 : memref<1x1x128xi32, #tpu.memory_space<hbm>> -> memref<128xi32, #tpu.memory_space<hbm>>
      tpu.enqueue_dma source(%dma_start3A_170 : memref<128xi32, #tpu.memory_space<hbm>>) target(%arg7 : memref<128xi32, #tpu.memory_space<vmem>>) target_semaphore(%arg23 : memref<!tpu.dma_semaphore, #tpu.memory_space<semaphore_mem>>)
      %dma_start3A_171 = arith.constant 1 : i32
      %dma_start3A_172 = arith.constant 0 : i32
      %dma_start3A_173 = tpu.memref_slice %arg3[%dma_start3A_171, %arg1, %dma_start3A_172] : memref<2x16x20000xi32, #tpu.memory_space<hbm>> -> memref<1x1x128xi32, #tpu.memory_space<hbm>>
      %dma_start3A_174 = tpu.memref_squeeze %dma_start3A_173 : memref<1x1x128xi32, #tpu.memory_space<hbm>> -> memref<128xi32, #tpu.memory_space<hbm>>
      %dma_start3A_175 = arith.constant 0 : i32
      %dma_start3A_176 = tpu.memref_slice %arg3[%dma_start3A_171, %arg1, %dma_start3A_175] : memref<2x16x20000xi32, #tpu.memory_space<hbm>> -> memref<1x1x128xi32, #tpu.memory_space<hbm>>
      %dma_start3A_177 = tpu.memref_squeeze %dma_start3A_176 : memref<1x1x128xi32, #tpu.memory_space<hbm>> -> memref<128xi32, #tpu.memory_space<hbm>>
      tpu.enqueue_dma source(%dma_start3A_177 : memref<128xi32, #tpu.memory_space<hbm>>) target(%arg11 : memref<128xi32, #tpu.memory_space<vmem>>) target_semaphore(%arg23 : memref<!tpu.dma_semaphore, #tpu.memory_space<semaphore_mem>>)
    } else {
    }
    %eq3A_57 = arith.constant 1 : i32
    %eq3A_58 = arith.cmpi eq, %arg0, %eq3A_57 : i32
    %convert_element_type3A_59 = arith.extui %eq3A_58 : i1 to i32
    %cond3A_60 = arith.constant 0 : i32
    %cond3A_61 = arith.cmpi ne, %convert_element_type3A_59, %cond3A_60 : i32
    scf.if %cond3A_61 {
      %dma_start3A_164 = arith.constant 0 : i32
      %dma_start3A_165 = arith.constant 0 : i32
      %dma_start3A_166 = tpu.memref_slice %arg4[%dma_start3A_164, %arg1, %dma_start3A_165] : memref<2x16x20000xi32, #tpu.memory_space<hbm>> -> memref<1x1x128xi32, #tpu.memory_space<hbm>>
      %dma_start3A_167 = tpu.memref_squeeze %dma_start3A_166 : memref<1x1x128xi32, #tpu.memory_space<hbm>> -> memref<128xi32, #tpu.memory_space<hbm>>
      %dma_start3A_168 = arith.constant 0 : i32
      %dma_start3A_169 = tpu.memref_slice %arg4[%dma_start3A_164, %arg1, %dma_start3A_168] : memref<2x16x20000xi32, #tpu.memory_space<hbm>> -> memref<1x1x128xi32, #tpu.memory_space<hbm>>
      %dma_start3A_170 = tpu.memref_squeeze %dma_start3A_169 : memref<1x1x128xi32, #tpu.memory_space<hbm>> -> memref<128xi32, #tpu.memory_space<hbm>>
      tpu.enqueue_dma source(%dma_start3A_170 : memref<128xi32, #tpu.memory_space<hbm>>) target(%arg7 : memref<128xi32, #tpu.memory_space<vmem>>) target_semaphore(%arg23 : memref<!tpu.dma_semaphore, #tpu.memory_space<semaphore_mem>>)
      %dma_start3A_171 = arith.constant 1 : i32
      %dma_start3A_172 = arith.constant 0 : i32
      %dma_start3A_173 = tpu.memref_slice %arg4[%dma_start3A_171, %arg1, %dma_start3A_172] : memref<2x16x20000xi32, #tpu.memory_space<hbm>> -> memref<1x1x128xi32, #tpu.memory_space<hbm>>
      %dma_start3A_174 = tpu.memref_squeeze %dma_start3A_173 : memref<1x1x128xi32, #tpu.memory_space<hbm>> -> memref<128xi32, #tpu.memory_space<hbm>>
      %dma_start3A_175 = arith.constant 0 : i32
      %dma_start3A_176 = tpu.memref_slice %arg4[%dma_start3A_171, %arg1, %dma_start3A_175] : memref<2x16x20000xi32, #tpu.memory_space<hbm>> -> memref<1x1x128xi32, #tpu.memory_space<hbm>>
      %dma_start3A_177 = tpu.memref_squeeze %dma_start3A_176 : memref<1x1x128xi32, #tpu.memory_space<hbm>> -> memref<128xi32, #tpu.memory_space<hbm>>
      tpu.enqueue_dma source(%dma_start3A_177 : memref<128xi32, #tpu.memory_space<hbm>>) target(%arg11 : memref<128xi32, #tpu.memory_space<vmem>>) target_semaphore(%arg23 : memref<!tpu.dma_semaphore, #tpu.memory_space<semaphore_mem>>)
    } else {
    }
    %eq3A_62 = arith.constant 0 : i32
    %eq3A_63 = arith.cmpi eq, %arg0, %eq3A_62 : i32
    %convert_element_type3A_64 = arith.extui %eq3A_63 : i1 to i32
    %cond3A_65 = arith.constant 0 : i32
    %cond3A_66 = arith.cmpi ne, %convert_element_type3A_64, %cond3A_65 : i32
    scf.if %cond3A_66 {
      %dma_start3A_164 = arith.constant 0 : i32
      %dma_start3A_165 = arith.constant 128 : i32
      %dma_start3A_166 = tpu.memref_slice %arg3[%dma_start3A_164, %arg1, %dma_start3A_165] : memref<2x16x20000xi32, #tpu.memory_space<hbm>> -> memref<1x1x128xi32, #tpu.memory_space<hbm>>
      %dma_start3A_167 = tpu.memref_squeeze %dma_start3A_166 : memref<1x1x128xi32, #tpu.memory_space<hbm>> -> memref<128xi32, #tpu.memory_space<hbm>>
      %dma_start3A_168 = arith.constant 128 : i32
      %dma_start3A_169 = tpu.memref_slice %arg3[%dma_start3A_164, %arg1, %dma_start3A_168] : memref<2x16x20000xi32, #tpu.memory_space<hbm>> -> memref<1x1x128xi32, #tpu.memory_space<hbm>>
      %dma_start3A_170 = tpu.memref_squeeze %dma_start3A_169 : memref<1x1x128xi32, #tpu.memory_space<hbm>> -> memref<128xi32, #tpu.memory_space<hbm>>
      tpu.enqueue_dma source(%dma_start3A_170 : memref<128xi32, #tpu.memory_space<hbm>>) target(%arg8 : memref<128xi32, #tpu.memory_space<vmem>>) target_semaphore(%arg24 : memref<!tpu.dma_semaphore, #tpu.memory_space<semaphore_mem>>)
      %dma_start3A_171 = arith.constant 1 : i32
      %dma_start3A_172 = arith.constant 128 : i32
      %dma_start3A_173 = tpu.memref_slice %arg3[%dma_start3A_171, %arg1, %dma_start3A_172] : memref<2x16x20000xi32, #tpu.memory_space<hbm>> -> memref<1x1x128xi32, #tpu.memory_space<hbm>>
      %dma_start3A_174 = tpu.memref_squeeze %dma_start3A_173 : memref<1x1x128xi32, #tpu.memory_space<hbm>> -> memref<128xi32, #tpu.memory_space<hbm>>
      %dma_start3A_175 = arith.constant 128 : i32
      %dma_start3A_176 = tpu.memref_slice %arg3[%dma_start3A_171, %arg1, %dma_start3A_175] : memref<2x16x20000xi32, #tpu.memory_space<hbm>> -> memref<1x1x128xi32, #tpu.memory_space<hbm>>
      %dma_start3A_177 = tpu.memref_squeeze %dma_start3A_176 : memref<1x1x128xi32, #tpu.memory_space<hbm>> -> memref<128xi32, #tpu.memory_space<hbm>>
      tpu.enqueue_dma source(%dma_start3A_177 : memref<128xi32, #tpu.memory_space<hbm>>) target(%arg12 : memref<128xi32, #tpu.memory_space<vmem>>) target_semaphore(%arg24 : memref<!tpu.dma_semaphore, #tpu.memory_space<semaphore_mem>>)
    } else {
    }
    %eq3A_67 = arith.constant 1 : i32
    %eq3A_68 = arith.cmpi eq, %arg0, %eq3A_67 : i32
    %convert_element_type3A_69 = arith.extui %eq3A_68 : i1 to i32
    %cond3A_70 = arith.constant 0 : i32
    %cond3A_71 = arith.cmpi ne, %convert_element_type3A_69, %cond3A_70 : i32
    scf.if %cond3A_71 {
      %dma_start3A_164 = arith.constant 0 : i32
      %dma_start3A_165 = arith.constant 128 : i32
      %dma_start3A_166 = tpu.memref_slice %arg4[%dma_start3A_164, %arg1, %dma_start3A_165] : memref<2x16x20000xi32, #tpu.memory_space<hbm>> -> memref<1x1x128xi32, #tpu.memory_space<hbm>>
      %dma_start3A_167 = tpu.memref_squeeze %dma_start3A_166 : memref<1x1x128xi32, #tpu.memory_space<hbm>> -> memref<128xi32, #tpu.memory_space<hbm>>
      %dma_start3A_168 = arith.constant 128 : i32
      %dma_start3A_169 = tpu.memref_slice %arg4[%dma_start3A_164, %arg1, %dma_start3A_168] : memref<2x16x20000xi32, #tpu.memory_space<hbm>> -> memref<1x1x128xi32, #tpu.memory_space<hbm>>
      %dma_start3A_170 = tpu.memref_squeeze %dma_start3A_169 : memref<1x1x128xi32, #tpu.memory_space<hbm>> -> memref<128xi32, #tpu.memory_space<hbm>>
      tpu.enqueue_dma source(%dma_start3A_170 : memref<128xi32, #tpu.memory_space<hbm>>) target(%arg8 : memref<128xi32, #tpu.memory_space<vmem>>) target_semaphore(%arg24 : memref<!tpu.dma_semaphore, #tpu.memory_space<semaphore_mem>>)
      %dma_start3A_171 = arith.constant 1 : i32
      %dma_start3A_172 = arith.constant 128 : i32
      %dma_start3A_173 = tpu.memref_slice %arg4[%dma_start3A_171, %arg1, %dma_start3A_172] : memref<2x16x20000xi32, #tpu.memory_space<hbm>> -> memref<1x1x128xi32, #tpu.memory_space<hbm>>
      %dma_start3A_174 = tpu.memref_squeeze %dma_start3A_173 : memref<1x1x128xi32, #tpu.memory_space<hbm>> -> memref<128xi32, #tpu.memory_space<hbm>>
      %dma_start3A_175 = arith.constant 128 : i32
      %dma_start3A_176 = tpu.memref_slice %arg4[%dma_start3A_171, %arg1, %dma_start3A_175] : memref<2x16x20000xi32, #tpu.memory_space<hbm>> -> memref<1x1x128xi32, #tpu.memory_space<hbm>>
      %dma_start3A_177 = tpu.memref_squeeze %dma_start3A_176 : memref<1x1x128xi32, #tpu.memory_space<hbm>> -> memref<128xi32, #tpu.memory_space<hbm>>
      tpu.enqueue_dma source(%dma_start3A_177 : memref<128xi32, #tpu.memory_space<hbm>>) target(%arg12 : memref<128xi32, #tpu.memory_space<vmem>>) target_semaphore(%arg24 : memref<!tpu.dma_semaphore, #tpu.memory_space<semaphore_mem>>)
    } else {
    }
    %dma_wait3A = arith.constant 0 : i32
    %dma_wait3A_72 = arith.constant 0 : i32
    %dma_wait3A_73 = tpu.memref_slice %arg3[%dma_wait3A, %arg1, %dma_wait3A_72] : memref<2x16x20000xi32, #tpu.memory_space<hbm>> -> memref<1x1x128xi32, #tpu.memory_space<hbm>>
    %dma_wait3A_74 = tpu.memref_squeeze %dma_wait3A_73 : memref<1x1x128xi32, #tpu.memory_space<hbm>> -> memref<128xi32, #tpu.memory_space<hbm>>
    %dma_wait3A_75 = arith.constant 0 : i32
    %dma_wait3A_76 = tpu.memref_slice %arg3[%dma_wait3A, %arg1, %dma_wait3A_75] : memref<2x16x20000xi32, #tpu.memory_space<hbm>> -> memref<1x1x128xi32, #tpu.memory_space<hbm>>
    %dma_wait3A_77 = tpu.memref_squeeze %dma_wait3A_76 : memref<1x1x128xi32, #tpu.memory_space<hbm>> -> memref<128xi32, #tpu.memory_space<hbm>>
    tpu.wait_dma2 semaphore(%arg23 : memref<!tpu.dma_semaphore, #tpu.memory_space<semaphore_mem>>) src(%dma_wait3A_77 : memref<128xi32, #tpu.memory_space<hbm>>) dst(%arg7 : memref<128xi32, #tpu.memory_space<vmem>>)
    %dma_wait3A_78 = arith.constant 1 : i32
    %dma_wait3A_79 = arith.constant 0 : i32
    %dma_wait3A_80 = tpu.memref_slice %arg3[%dma_wait3A_78, %arg1, %dma_wait3A_79] : memref<2x16x20000xi32, #tpu.memory_space<hbm>> -> memref<1x1x128xi32, #tpu.memory_space<hbm>>
    %dma_wait3A_81 = tpu.memref_squeeze %dma_wait3A_80 : memref<1x1x128xi32, #tpu.memory_space<hbm>> -> memref<128xi32, #tpu.memory_space<hbm>>
    %dma_wait3A_82 = arith.constant 0 : i32
    %dma_wait3A_83 = tpu.memref_slice %arg3[%dma_wait3A_78, %arg1, %dma_wait3A_82] : memref<2x16x20000xi32, #tpu.memory_space<hbm>> -> memref<1x1x128xi32, #tpu.memory_space<hbm>>
    %dma_wait3A_84 = tpu.memref_squeeze %dma_wait3A_83 : memref<1x1x128xi32, #tpu.memory_space<hbm>> -> memref<128xi32, #tpu.memory_space<hbm>>
    tpu.wait_dma2 semaphore(%arg23 : memref<!tpu.dma_semaphore, #tpu.memory_space<semaphore_mem>>) src(%dma_wait3A_84 : memref<128xi32, #tpu.memory_space<hbm>>) dst(%arg11 : memref<128xi32, #tpu.memory_space<vmem>>)
    %dma_start3A = arith.constant 0 : i32
    %dma_start3A_85 = arith.constant 0 : i32
    %dma_start3A_86 = tpu.memref_slice %arg2[%dma_start3A, %dma_start3A_85] : memref<10000x128xf32, #tpu.memory_space<hbm>> -> memref<10000x128xf32, #tpu.memory_space<hbm>>
    tpu.enqueue_indirect_dma source(%dma_start3A_86 : memref<10000x128xf32, #tpu.memory_space<hbm>>) target(%arg17 : memref<128x128xf32, #tpu.memory_space<vmem>>) offsets(%arg7 : memref<128xi32, #tpu.memory_space<vmem>>) semaphore(%arg27 : memref<!tpu.dma_semaphore, #tpu.memory_space<semaphore_mem>>)
    %scan3A_87 = arith.constant 0 : i32
    %scan3A_88 = arith.constant 0 : i32
    %scan3A_89 = arith.constant 39 : i32
    %scan3A_90 = arith.addi %scan3A_88, %scan3A_89 : i32
    %scan3A_91 = arith.constant 1 : i32
    scf.for %scan3A_164 = %scan3A_88 to %scan3A_90 step %scan3A_91  : i32 {
      %mul3A_165 = arith.constant 4 : i32
      %mul3A_166 = arith.muli %mul3A_165, %scan3A_164 : i32
      %add3A_167 = arith.constant 0 : i32
      %add3A_168 = arith.addi %mul3A_166, %add3A_167 : i32
      %lt3A_169 = arith.constant 155 : i32
      %lt3A_170 = arith.cmpi slt, %add3A_168, %lt3A_169 : i32
      %convert_element_type3A_171 = arith.extui %lt3A_170 : i1 to i32
      %cond3A_172 = arith.constant 0 : i32
      %cond3A_173 = arith.cmpi ne, %convert_element_type3A_171, %cond3A_172 : i32
      scf.if %cond3A_173 {
        %add3A_641 = arith.constant 1 : i32
        %add3A_642 = arith.addi %add3A_168, %add3A_641 : i32
        %mul3A_643 = arith.constant 128 : i32
        %mul3A_644 = arith.muli %add3A_642, %mul3A_643 : i32
        %dma_wait3A_645 = arith.constant 0 : i32
        %dma_wait3A_646 = tpu.memref_slice %arg3[%dma_wait3A_645, %arg1, %mul3A_644] : memref<2x16x20000xi32, #tpu.memory_space<hbm>> -> memref<1x1x128xi32, #tpu.memory_space<hbm>>
        %dma_wait3A_647 = tpu.memref_squeeze %dma_wait3A_646 : memref<1x1x128xi32, #tpu.memory_space<hbm>> -> memref<128xi32, #tpu.memory_space<hbm>>
        %dma_wait3A_648 = tpu.memref_slice %arg3[%dma_wait3A_645, %arg1, %mul3A_644] : memref<2x16x20000xi32, #tpu.memory_space<hbm>> -> memref<1x1x128xi32, #tpu.memory_space<hbm>>
        %dma_wait3A_649 = tpu.memref_squeeze %dma_wait3A_648 : memref<1x1x128xi32, #tpu.memory_space<hbm>> -> memref<128xi32, #tpu.memory_space<hbm>>
        tpu.wait_dma2 semaphore(%arg24 : memref<!tpu.dma_semaphore, #tpu.memory_space<semaphore_mem>>) src(%dma_wait3A_649 : memref<128xi32, #tpu.memory_space<hbm>>) dst(%arg8 : memref<128xi32, #tpu.memory_space<vmem>>)
        %mul3A_650 = arith.constant 128 : i32
        %mul3A_651 = arith.muli %add3A_642, %mul3A_650 : i32
        %dma_wait3A_652 = arith.constant 1 : i32
        %dma_wait3A_653 = tpu.memref_slice %arg3[%dma_wait3A_652, %arg1, %mul3A_651] : memref<2x16x20000xi32, #tpu.memory_space<hbm>> -> memref<1x1x128xi32, #tpu.memory_space<hbm>>
        %dma_wait3A_654 = tpu.memref_squeeze %dma_wait3A_653 : memref<1x1x128xi32, #tpu.memory_space<hbm>> -> memref<128xi32, #tpu.memory_space<hbm>>
        %dma_wait3A_655 = tpu.memref_slice %arg3[%dma_wait3A_652, %arg1, %mul3A_651] : memref<2x16x20000xi32, #tpu.memory_space<hbm>> -> memref<1x1x128xi32, #tpu.memory_space<hbm>>
        %dma_wait3A_656 = tpu.memref_squeeze %dma_wait3A_655 : memref<1x1x128xi32, #tpu.memory_space<hbm>> -> memref<128xi32, #tpu.memory_space<hbm>>
        tpu.wait_dma2 semaphore(%arg24 : memref<!tpu.dma_semaphore, #tpu.memory_space<semaphore_mem>>) src(%dma_wait3A_656 : memref<128xi32, #tpu.memory_space<hbm>>) dst(%arg12 : memref<128xi32, #tpu.memory_space<vmem>>)
        %ge3A = arith.constant 1 : i32
        %ge3A_657 = arith.cmpi sge, %add3A_168, %ge3A : i32
        %convert_element_type3A_658 = arith.extui %ge3A_657 : i1 to i32
        %cond3A_659 = arith.constant 0 : i32
        %cond3A_660 = arith.cmpi ne, %convert_element_type3A_658, %cond3A_659 : i32
        scf.if %cond3A_660 {
          %dma_wait3A_669 = arith.constant 0 : i32
          %dma_wait3A_670 = arith.constant 0 : i32
          %dma_wait3A_671 = tpu.memref_slice %arg21[%dma_wait3A_669, %dma_wait3A_670] : memref<10240x128xf32, #tpu.memory_space<vmem_shared>> -> memref<10240x128xf32, #tpu.memory_space<vmem_shared>>
          tpu.wait_indirect_dma semaphore(%arg30 : memref<!tpu.dma_semaphore, #tpu.memory_space<semaphore_mem>>) src(%arg18 : memref<128x128xf32, #tpu.memory_space<vmem>>) dst(%dma_wait3A_671 : memref<10240x128xf32, #tpu.memory_space<vmem_shared>>)
        } else {
        }
        %lt3A_661 = arith.constant 154 : i32
        %lt3A_662 = arith.cmpi slt, %add3A_168, %lt3A_661 : i32
        %convert_element_type3A_663 = arith.extui %lt3A_662 : i1 to i32
        %cond3A_664 = arith.constant 0 : i32
        %cond3A_665 = arith.cmpi ne, %convert_element_type3A_663, %cond3A_664 : i32
        scf.if %cond3A_665 {
          %add3A_669 = arith.constant 2 : i32
          %add3A_670 = arith.addi %add3A_168, %add3A_669 : i32
          %eq3A_671 = arith.constant 0 : i32
          %eq3A_672 = arith.cmpi eq, %arg0, %eq3A_671 : i32
          %convert_element_type3A_673 = arith.extui %eq3A_672 : i1 to i32
          %cond3A_674 = arith.constant 0 : i32
          %cond3A_675 = arith.cmpi ne, %convert_element_type3A_673, %cond3A_674 : i32
          scf.if %cond3A_675 {
            %mul3A_681 = arith.constant 128 : i32
            %mul3A_682 = arith.muli %add3A_670, %mul3A_681 : i32
            %dma_start3A_683 = arith.constant 0 : i32
            %dma_start3A_684 = tpu.memref_slice %arg3[%dma_start3A_683, %arg1, %mul3A_682] : memref<2x16x20000xi32, #tpu.memory_space<hbm>> -> memref<1x1x128xi32, #tpu.memory_space<hbm>>
            %dma_start3A_685 = tpu.memref_squeeze %dma_start3A_684 : memref<1x1x128xi32, #tpu.memory_space<hbm>> -> memref<128xi32, #tpu.memory_space<hbm>>
            %dma_start3A_686 = tpu.memref_slice %arg3[%dma_start3A_683, %arg1, %mul3A_682] : memref<2x16x20000xi32, #tpu.memory_space<hbm>> -> memref<1x1x128xi32, #tpu.memory_space<hbm>>
            %dma_start3A_687 = tpu.memref_squeeze %dma_start3A_686 : memref<1x1x128xi32, #tpu.memory_space<hbm>> -> memref<128xi32, #tpu.memory_space<hbm>>
            tpu.enqueue_dma source(%dma_start3A_687 : memref<128xi32, #tpu.memory_space<hbm>>) target(%arg9 : memref<128xi32, #tpu.memory_space<vmem>>) target_semaphore(%arg25 : memref<!tpu.dma_semaphore, #tpu.memory_space<semaphore_mem>>)
            %mul3A_688 = arith.constant 128 : i32
            %mul3A_689 = arith.muli %add3A_670, %mul3A_688 : i32
            %dma_start3A_690 = arith.constant 1 : i32
            %dma_start3A_691 = tpu.memref_slice %arg3[%dma_start3A_690, %arg1, %mul3A_689] : memref<2x16x20000xi32, #tpu.memory_space<hbm>> -> memref<1x1x128xi32, #tpu.memory_space<hbm>>
            %dma_start3A_692 = tpu.memref_squeeze %dma_start3A_691 : memref<1x1x128xi32, #tpu.memory_space<hbm>> -> memref<128xi32, #tpu.memory_space<hbm>>
            %dma_start3A_693 = tpu.memref_slice %arg3[%dma_start3A_690, %arg1, %mul3A_689] : memref<2x16x20000xi32, #tpu.memory_space<hbm>> -> memref<1x1x128xi32, #tpu.memory_space<hbm>>
            %dma_start3A_694 = tpu.memref_squeeze %dma_start3A_693 : memref<1x1x128xi32, #tpu.memory_space<hbm>> -> memref<128xi32, #tpu.memory_space<hbm>>
            tpu.enqueue_dma source(%dma_start3A_694 : memref<128xi32, #tpu.memory_space<hbm>>) target(%arg13 : memref<128xi32, #tpu.memory_space<vmem>>) target_semaphore(%arg25 : memref<!tpu.dma_semaphore, #tpu.memory_space<semaphore_mem>>)
          } else {
          }
          %eq3A_676 = arith.constant 1 : i32
          %eq3A_677 = arith.cmpi eq, %arg0, %eq3A_676 : i32
          %convert_element_type3A_678 = arith.extui %eq3A_677 : i1 to i32
          %cond3A_679 = arith.constant 0 : i32
          %cond3A_680 = arith.cmpi ne, %convert_element_type3A_678, %cond3A_679 : i32
          scf.if %cond3A_680 {
            %mul3A_681 = arith.constant 128 : i32
            %mul3A_682 = arith.muli %add3A_670, %mul3A_681 : i32
            %dma_start3A_683 = arith.constant 0 : i32
            %dma_start3A_684 = tpu.memref_slice %arg4[%dma_start3A_683, %arg1, %mul3A_682] : memref<2x16x20000xi32, #tpu.memory_space<hbm>> -> memref<1x1x128xi32, #tpu.memory_space<hbm>>
            %dma_start3A_685 = tpu.memref_squeeze %dma_start3A_684 : memref<1x1x128xi32, #tpu.memory_space<hbm>> -> memref<128xi32, #tpu.memory_space<hbm>>
            %dma_start3A_686 = tpu.memref_slice %arg4[%dma_start3A_683, %arg1, %mul3A_682] : memref<2x16x20000xi32, #tpu.memory_space<hbm>> -> memref<1x1x128xi32, #tpu.memory_space<hbm>>
            %dma_start3A_687 = tpu.memref_squeeze %dma_start3A_686 : memref<1x1x128xi32, #tpu.memory_space<hbm>> -> memref<128xi32, #tpu.memory_space<hbm>>
            tpu.enqueue_dma source(%dma_start3A_687 : memref<128xi32, #tpu.memory_space<hbm>>) target(%arg9 : memref<128xi32, #tpu.memory_space<vmem>>) target_semaphore(%arg25 : memref<!tpu.dma_semaphore, #tpu.memory_space<semaphore_mem>>)
            %mul3A_688 = arith.constant 128 : i32
            %mul3A_689 = arith.muli %add3A_670, %mul3A_688 : i32
            %dma_start3A_690 = arith.constant 1 : i32
            %dma_start3A_691 = tpu.memref_slice %arg4[%dma_start3A_690, %arg1, %mul3A_689] : memref<2x16x20000xi32, #tpu.memory_space<hbm>> -> memref<1x1x128xi32, #tpu.memory_space<hbm>>
            %dma_start3A_692 = tpu.memref_squeeze %dma_start3A_691 : memref<1x1x128xi32, #tpu.memory_space<hbm>> -> memref<128xi32, #tpu.memory_space<hbm>>
            %dma_start3A_693 = tpu.memref_slice %arg4[%dma_start3A_690, %arg1, %mul3A_689] : memref<2x16x20000xi32, #tpu.memory_space<hbm>> -> memref<1x1x128xi32, #tpu.memory_space<hbm>>
            %dma_start3A_694 = tpu.memref_squeeze %dma_start3A_693 : memref<1x1x128xi32, #tpu.memory_space<hbm>> -> memref<128xi32, #tpu.memory_space<hbm>>
            tpu.enqueue_dma source(%dma_start3A_694 : memref<128xi32, #tpu.memory_space<hbm>>) target(%arg13 : memref<128xi32, #tpu.memory_space<vmem>>) target_semaphore(%arg25 : memref<!tpu.dma_semaphore, #tpu.memory_space<semaphore_mem>>)
          } else {
          }
        } else {
        }
        %dma_start3A_666 = arith.constant 0 : i32
        %dma_start3A_667 = arith.constant 0 : i32
        %dma_start3A_668 = tpu.memref_slice %arg2[%dma_start3A_666, %dma_start3A_667] : memref<10000x128xf32, #tpu.memory_space<hbm>> -> memref<10000x128xf32, #tpu.memory_space<hbm>>
        tpu.enqueue_indirect_dma source(%dma_start3A_668 : memref<10000x128xf32, #tpu.memory_space<hbm>>) target(%arg18 : memref<128x128xf32, #tpu.memory_space<vmem>>) offsets(%arg8 : memref<128xi32, #tpu.memory_space<vmem>>) semaphore(%arg28 : memref<!tpu.dma_semaphore, #tpu.memory_space<semaphore_mem>>)
      } else {
      }
      %dma_wait3A_174 = arith.constant 0 : i32
      %dma_wait3A_175 = arith.constant 0 : i32
      %dma_wait3A_176 = tpu.memref_slice %arg2[%dma_wait3A_174, %dma_wait3A_175] : memref<10000x128xf32, #tpu.memory_space<hbm>> -> memref<10000x128xf32, #tpu.memory_space<hbm>>
      tpu.wait_indirect_dma semaphore(%arg27 : memref<!tpu.dma_semaphore, #tpu.memory_space<semaphore_mem>>) src(%dma_wait3A_176 : memref<10000x128xf32, #tpu.memory_space<hbm>>) dst(%arg17 : memref<128x128xf32, #tpu.memory_space<vmem>>)
      %dma_start3A_177 = arith.constant 0 : i32
      %dma_start3A_178 = arith.constant 0 : i32
      %dma_start3A_179 = tpu.memref_slice %arg21[%dma_start3A_177, %dma_start3A_178] : memref<10240x128xf32, #tpu.memory_space<vmem_shared>> -> memref<10240x128xf32, #tpu.memory_space<vmem_shared>>
      tpu.enqueue_indirect_dma source(%arg17 : memref<128x128xf32, #tpu.memory_space<vmem>>) target(%dma_start3A_179 : memref<10240x128xf32, #tpu.memory_space<vmem_shared>>) offsets(%arg11 : memref<128xi32, #tpu.memory_space<vmem>>) semaphore(%arg29 : memref<!tpu.dma_semaphore, #tpu.memory_space<semaphore_mem>>) {add = true}
      %get3A_180 = arith.constant 0 : index
      %get3A_181 = tpu.vector_load %arg11[%get3A_180] {strides = array<i32>} : memref<128xi32, #tpu.memory_space<vmem>>, vector<16xi32>,
      %broadcast_in_dim3A_182 = arith.constant true
      %broadcast_in_dim3A_183 = vector.broadcast %broadcast_in_dim3A_182 : i1 to vector<16xi1>
      %unique3A_184, %unique3A_185 = tpu.scan_count mask(%broadcast_in_dim3A_183 : vector<16xi1>) value(%get3A_181 : vector<16xi32>) : vector<16xi1>, vector<16xi32>
      %shift_right_logical3A_186 = arith.constant 7 : i32
      %shift_right_logical3A_187 = vector.broadcast %shift_right_logical3A_186 : i32 to vector<16xi32>
      %shift_right_logical3A_188 = arith.shrui %get3A_181, %shift_right_logical3A_187 : vector<16xi32>
      %and3A_189 = arith.constant 127 : i32
      %and3A_190 = vector.broadcast %and3A_189 : i32 to vector<16xi32>
      %and3A_191 = arith.andi %get3A_181, %and3A_190 : vector<16xi32>
      %convert_element_type3A_192 = arith.sitofp %unique3A_185 : vector<16xi32> to vector<16xf32>
      tpu.vector_store_idx %arg19[%shift_right_logical3A_188, %and3A_191], %convert_element_type3A_192 masked %unique3A_184 {add = true} : memref<80x128xf32, #tpu.memory_space<vmem>>[vector<16xi32>, vector<16xi32>], vector<16xf32>, vector<16xi1>
      %get3A_193 = arith.constant 16 : index
      %get3A_194 = tpu.vector_load %arg11[%get3A_193] {strides = array<i32>} : memref<128xi32, #tpu.memory_space<vmem>>, vector<16xi32>,
      %broadcast_in_dim3A_195 = arith.constant true
      %broadcast_in_dim3A_196 = vector.broadcast %broadcast_in_dim3A_195 : i1 to vector<16xi1>
      %unique3A_197, %unique3A_198 = tpu.scan_count mask(%broadcast_in_dim3A_196 : vector<16xi1>) value(%get3A_194 : vector<16xi32>) : vector<16xi1>, vector<16xi32>
      %shift_right_logical3A_199 = arith.constant 7 : i32
      %shift_right_logical3A_200 = vector.broadcast %shift_right_logical3A_199 : i32 to vector<16xi32>
      %shift_right_logical3A_201 = arith.shrui %get3A_194, %shift_right_logical3A_200 : vector<16xi32>
      %and3A_202 = arith.constant 127 : i32
      %and3A_203 = vector.broadcast %and3A_202 : i32 to vector<16xi32>
      %and3A_204 = arith.andi %get3A_194, %and3A_203 : vector<16xi32>
      %convert_element_type3A_205 = arith.sitofp %unique3A_198 : vector<16xi32> to vector<16xf32>
      tpu.vector_store_idx %arg19[%shift_right_logical3A_201, %and3A_204], %convert_element_type3A_205 masked %unique3A_197 {add = true} : memref<80x128xf32, #tpu.memory_space<vmem>>[vector<16xi32>, vector<16xi32>], vector<16xf32>, vector<16xi1>
      %get3A_206 = arith.constant 32 : index
      %get3A_207 = tpu.vector_load %arg11[%get3A_206] {strides = array<i32>} : memref<128xi32, #tpu.memory_space<vmem>>, vector<16xi32>,
      %broadcast_in_dim3A_208 = arith.constant true
      %broadcast_in_dim3A_209 = vector.broadcast %broadcast_in_dim3A_208 : i1 to vector<16xi1>
      %unique3A_210, %unique3A_211 = tpu.scan_count mask(%broadcast_in_dim3A_209 : vector<16xi1>) value(%get3A_207 : vector<16xi32>) : vector<16xi1>, vector<16xi32>
      %shift_right_logical3A_212 = arith.constant 7 : i32
      %shift_right_logical3A_213 = vector.broadcast %shift_right_logical3A_212 : i32 to vector<16xi32>
      %shift_right_logical3A_214 = arith.shrui %get3A_207, %shift_right_logical3A_213 : vector<16xi32>
      %and3A_215 = arith.constant 127 : i32
      %and3A_216 = vector.broadcast %and3A_215 : i32 to vector<16xi32>
      %and3A_217 = arith.andi %get3A_207, %and3A_216 : vector<16xi32>
      %convert_element_type3A_218 = arith.sitofp %unique3A_211 : vector<16xi32> to vector<16xf32>
      tpu.vector_store_idx %arg19[%shift_right_logical3A_214, %and3A_217], %convert_element_type3A_218 masked %unique3A_210 {add = true} : memref<80x128xf32, #tpu.memory_space<vmem>>[vector<16xi32>, vector<16xi32>], vector<16xf32>, vector<16xi1>
      %get3A_219 = arith.constant 48 : index
      %get3A_220 = tpu.vector_load %arg11[%get3A_219] {strides = array<i32>} : memref<128xi32, #tpu.memory_space<vmem>>, vector<16xi32>,
      %broadcast_in_dim3A_221 = arith.constant true
      %broadcast_in_dim3A_222 = vector.broadcast %broadcast_in_dim3A_221 : i1 to vector<16xi1>
      %unique3A_223, %unique3A_224 = tpu.scan_count mask(%broadcast_in_dim3A_222 : vector<16xi1>) value(%get3A_220 : vector<16xi32>) : vector<16xi1>, vector<16xi32>
      %shift_right_logical3A_225 = arith.constant 7 : i32
      %shift_right_logical3A_226 = vector.broadcast %shift_right_logical3A_225 : i32 to vector<16xi32>
      %shift_right_logical3A_227 = arith.shrui %get3A_220, %shift_right_logical3A_226 : vector<16xi32>
      %and3A_228 = arith.constant 127 : i32
      %and3A_229 = vector.broadcast %and3A_228 : i32 to vector<16xi32>
      %and3A_230 = arith.andi %get3A_220, %and3A_229 : vector<16xi32>
      %convert_element_type3A_231 = arith.sitofp %unique3A_224 : vector<16xi32> to vector<16xf32>
      tpu.vector_store_idx %arg19[%shift_right_logical3A_227, %and3A_230], %convert_element_type3A_231 masked %unique3A_223 {add = true} : memref<80x128xf32, #tpu.memory_space<vmem>>[vector<16xi32>, vector<16xi32>], vector<16xf32>, vector<16xi1>
      %get3A_232 = arith.constant 64 : index
      %get3A_233 = tpu.vector_load %arg11[%get3A_232] {strides = array<i32>} : memref<128xi32, #tpu.memory_space<vmem>>, vector<16xi32>,
      %broadcast_in_dim3A_234 = arith.constant true
      %broadcast_in_dim3A_235 = vector.broadcast %broadcast_in_dim3A_234 : i1 to vector<16xi1>
      %unique3A_236, %unique3A_237 = tpu.scan_count mask(%broadcast_in_dim3A_235 : vector<16xi1>) value(%get3A_233 : vector<16xi32>) : vector<16xi1>, vector<16xi32>
      %shift_right_logical3A_238 = arith.constant 7 : i32
      %shift_right_logical3A_239 = vector.broadcast %shift_right_logical3A_238 : i32 to vector<16xi32>
      %shift_right_logical3A_240 = arith.shrui %get3A_233, %shift_right_logical3A_239 : vector<16xi32>
      %and3A_241 = arith.constant 127 : i32
      %and3A_242 = vector.broadcast %and3A_241 : i32 to vector<16xi32>
      %and3A_243 = arith.andi %get3A_233, %and3A_242 : vector<16xi32>
      %convert_element_type3A_244 = arith.sitofp %unique3A_237 : vector<16xi32> to vector<16xf32>
      tpu.vector_store_idx %arg19[%shift_right_logical3A_240, %and3A_243], %convert_element_type3A_244 masked %unique3A_236 {add = true} : memref<80x128xf32, #tpu.memory_space<vmem>>[vector<16xi32>, vector<16xi32>], vector<16xf32>, vector<16xi1>
      %get3A_245 = arith.constant 80 : index
      %get3A_246 = tpu.vector_load %arg11[%get3A_245] {strides = array<i32>} : memref<128xi32, #tpu.memory_space<vmem>>, vector<16xi32>,
      %broadcast_in_dim3A_247 = arith.constant true
      %broadcast_in_dim3A_248 = vector.broadcast %broadcast_in_dim3A_247 : i1 to vector<16xi1>
      %unique3A_249, %unique3A_250 = tpu.scan_count mask(%broadcast_in_dim3A_248 : vector<16xi1>) value(%get3A_246 : vector<16xi32>) : vector<16xi1>, vector<16xi32>
      %shift_right_logical3A_251 = arith.constant 7 : i32
      %shift_right_logical3A_252 = vector.broadcast %shift_right_logical3A_251 : i32 to vector<16xi32>
      %shift_right_logical3A_253 = arith.shrui %get3A_246, %shift_right_logical3A_252 : vector<16xi32>
      %and3A_254 = arith.constant 127 : i32
      %and3A_255 = vector.broadcast %and3A_254 : i32 to vector<16xi32>
      %and3A_256 = arith.andi %get3A_246, %and3A_255 : vector<16xi32>
      %convert_element_type3A_257 = arith.sitofp %unique3A_250 : vector<16xi32> to vector<16xf32>
      tpu.vector_store_idx %arg19[%shift_right_logical3A_253, %and3A_256], %convert_element_type3A_257 masked %unique3A_249 {add = true} : memref<80x128xf32, #tpu.memory_space<vmem>>[vector<16xi32>, vector<16xi32>], vector<16xf32>, vector<16xi1>
      %get3A_258 = arith.constant 96 : index
      %get3A_259 = tpu.vector_load %arg11[%get3A_258] {strides = array<i32>} : memref<128xi32, #tpu.memory_space<vmem>>, vector<16xi32>,
      %broadcast_in_dim3A_260 = arith.constant true
      %broadcast_in_dim3A_261 = vector.broadcast %broadcast_in_dim3A_260 : i1 to vector<16xi1>
      %unique3A_262, %unique3A_263 = tpu.scan_count mask(%broadcast_in_dim3A_261 : vector<16xi1>) value(%get3A_259 : vector<16xi32>) : vector<16xi1>, vector<16xi32>
      %shift_right_logical3A_264 = arith.constant 7 : i32
      %shift_right_logical3A_265 = vector.broadcast %shift_right_logical3A_264 : i32 to vector<16xi32>
      %shift_right_logical3A_266 = arith.shrui %get3A_259, %shift_right_logical3A_265 : vector<16xi32>
      %and3A_267 = arith.constant 127 : i32
      %and3A_268 = vector.broadcast %and3A_267 : i32 to vector<16xi32>
      %and3A_269 = arith.andi %get3A_259, %and3A_268 : vector<16xi32>
      %convert_element_type3A_270 = arith.sitofp %unique3A_263 : vector<16xi32> to vector<16xf32>
      tpu.vector_store_idx %arg19[%shift_right_logical3A_266, %and3A_269], %convert_element_type3A_270 masked %unique3A_262 {add = true} : memref<80x128xf32, #tpu.memory_space<vmem>>[vector<16xi32>, vector<16xi32>], vector<16xf32>, vector<16xi1>
      %get3A_271 = arith.constant 112 : index
      %get3A_272 = tpu.vector_load %arg11[%get3A_271] {strides = array<i32>} : memref<128xi32, #tpu.memory_space<vmem>>, vector<16xi32>,
      %broadcast_in_dim3A_273 = arith.constant true
      %broadcast_in_dim3A_274 = vector.broadcast %broadcast_in_dim3A_273 : i1 to vector<16xi1>
      %unique3A_275, %unique3A_276 = tpu.scan_count mask(%broadcast_in_dim3A_274 : vector<16xi1>) value(%get3A_272 : vector<16xi32>) : vector<16xi1>, vector<16xi32>
      %shift_right_logical3A_277 = arith.constant 7 : i32
      %shift_right_logical3A_278 = vector.broadcast %shift_right_logical3A_277 : i32 to vector<16xi32>
      %shift_right_logical3A_279 = arith.shrui %get3A_272, %shift_right_logical3A_278 : vector<16xi32>
      %and3A_280 = arith.constant 127 : i32
      %and3A_281 = vector.broadcast %and3A_280 : i32 to vector<16xi32>
      %and3A_282 = arith.andi %get3A_272, %and3A_281 : vector<16xi32>
      %convert_element_type3A_283 = arith.sitofp %unique3A_276 : vector<16xi32> to vector<16xf32>
      tpu.vector_store_idx %arg19[%shift_right_logical3A_279, %and3A_282], %convert_element_type3A_283 masked %unique3A_275 {add = true} : memref<80x128xf32, #tpu.memory_space<vmem>>[vector<16xi32>, vector<16xi32>], vector<16xf32>, vector<16xi1>
      %mul3A_284 = arith.constant 4 : i32
      %mul3A_285 = arith.muli %mul3A_284, %scan3A_164 : i32
      %add3A_286 = arith.constant 1 : i32
      %add3A_287 = arith.addi %mul3A_285, %add3A_286 : i32
      %lt3A_288 = arith.constant 155 : i32
      %lt3A_289 = arith.cmpi slt, %add3A_287, %lt3A_288 : i32
      %convert_element_type3A_290 = arith.extui %lt3A_289 : i1 to i32
      %cond3A_291 = arith.constant 0 : i32
      %cond3A_292 = arith.cmpi ne, %convert_element_type3A_290, %cond3A_291 : i32
      scf.if %cond3A_292 {
        %add3A_641 = arith.constant 1 : i32
        %add3A_642 = arith.addi %add3A_287, %add3A_641 : i32
        %mul3A_643 = arith.constant 128 : i32
        %mul3A_644 = arith.muli %add3A_642, %mul3A_643 : i32
        %dma_wait3A_645 = arith.constant 0 : i32
        %dma_wait3A_646 = tpu.memref_slice %arg3[%dma_wait3A_645, %arg1, %mul3A_644] : memref<2x16x20000xi32, #tpu.memory_space<hbm>> -> memref<1x1x128xi32, #tpu.memory_space<hbm>>
        %dma_wait3A_647 = tpu.memref_squeeze %dma_wait3A_646 : memref<1x1x128xi32, #tpu.memory_space<hbm>> -> memref<128xi32, #tpu.memory_space<hbm>>
        %dma_wait3A_648 = tpu.memref_slice %arg3[%dma_wait3A_645, %arg1, %mul3A_644] : memref<2x16x20000xi32, #tpu.memory_space<hbm>> -> memref<1x1x128xi32, #tpu.memory_space<hbm>>
        %dma_wait3A_649 = tpu.memref_squeeze %dma_wait3A_648 : memref<1x1x128xi32, #tpu.memory_space<hbm>> -> memref<128xi32, #tpu.memory_space<hbm>>
        tpu.wait_dma2 semaphore(%arg25 : memref<!tpu.dma_semaphore, #tpu.memory_space<semaphore_mem>>) src(%dma_wait3A_649 : memref<128xi32, #tpu.memory_space<hbm>>) dst(%arg9 : memref<128xi32, #tpu.memory_space<vmem>>)
        %mul3A_650 = arith.constant 128 : i32
        %mul3A_651 = arith.muli %add3A_642, %mul3A_650 : i32
        %dma_wait3A_652 = arith.constant 1 : i32
        %dma_wait3A_653 = tpu.memref_slice %arg3[%dma_wait3A_652, %arg1, %mul3A_651] : memref<2x16x20000xi32, #tpu.memory_space<hbm>> -> memref<1x1x128xi32, #tpu.memory_space<hbm>>
        %dma_wait3A_654 = tpu.memref_squeeze %dma_wait3A_653 : memref<1x1x128xi32, #tpu.memory_space<hbm>> -> memref<128xi32, #tpu.memory_space<hbm>>
        %dma_wait3A_655 = tpu.memref_slice %arg3[%dma_wait3A_652, %arg1, %mul3A_651] : memref<2x16x20000xi32, #tpu.memory_space<hbm>> -> memref<1x1x128xi32, #tpu.memory_space<hbm>>
        %dma_wait3A_656 = tpu.memref_squeeze %dma_wait3A_655 : memref<1x1x128xi32, #tpu.memory_space<hbm>> -> memref<128xi32, #tpu.memory_space<hbm>>
        tpu.wait_dma2 semaphore(%arg25 : memref<!tpu.dma_semaphore, #tpu.memory_space<semaphore_mem>>) src(%dma_wait3A_656 : memref<128xi32, #tpu.memory_space<hbm>>) dst(%arg13 : memref<128xi32, #tpu.memory_space<vmem>>)
        %ge3A = arith.constant 1 : i32
        %ge3A_657 = arith.cmpi sge, %add3A_287, %ge3A : i32
        %convert_element_type3A_658 = arith.extui %ge3A_657 : i1 to i32
        %cond3A_659 = arith.constant 0 : i32
        %cond3A_660 = arith.cmpi ne, %convert_element_type3A_658, %cond3A_659 : i32
        scf.if %cond3A_660 {
          %dma_wait3A_669 = arith.constant 0 : i32
          %dma_wait3A_670 = arith.constant 0 : i32
          %dma_wait3A_671 = tpu.memref_slice %arg21[%dma_wait3A_669, %dma_wait3A_670] : memref<10240x128xf32, #tpu.memory_space<vmem_shared>> -> memref<10240x128xf32, #tpu.memory_space<vmem_shared>>
          tpu.wait_indirect_dma semaphore(%arg29 : memref<!tpu.dma_semaphore, #tpu.memory_space<semaphore_mem>>) src(%arg17 : memref<128x128xf32, #tpu.memory_space<vmem>>) dst(%dma_wait3A_671 : memref<10240x128xf32, #tpu.memory_space<vmem_shared>>)
        } else {
        }
        %lt3A_661 = arith.constant 154 : i32
        %lt3A_662 = arith.cmpi slt, %add3A_287, %lt3A_661 : i32
        %convert_element_type3A_663 = arith.extui %lt3A_662 : i1 to i32
        %cond3A_664 = arith.constant 0 : i32
        %cond3A_665 = arith.cmpi ne, %convert_element_type3A_663, %cond3A_664 : i32
        scf.if %cond3A_665 {
          %add3A_669 = arith.constant 2 : i32
          %add3A_670 = arith.addi %add3A_287, %add3A_669 : i32
          %eq3A_671 = arith.constant 0 : i32
          %eq3A_672 = arith.cmpi eq, %arg0, %eq3A_671 : i32
          %convert_element_type3A_673 = arith.extui %eq3A_672 : i1 to i32
          %cond3A_674 = arith.constant 0 : i32
          %cond3A_675 = arith.cmpi ne, %convert_element_type3A_673, %cond3A_674 : i32
          scf.if %cond3A_675 {
            %mul3A_681 = arith.constant 128 : i32
            %mul3A_682 = arith.muli %add3A_670, %mul3A_681 : i32
            %dma_start3A_683 = arith.constant 0 : i32
            %dma_start3A_684 = tpu.memref_slice %arg3[%dma_start3A_683, %arg1, %mul3A_682] : memref<2x16x20000xi32, #tpu.memory_space<hbm>> -> memref<1x1x128xi32, #tpu.memory_space<hbm>>
            %dma_start3A_685 = tpu.memref_squeeze %dma_start3A_684 : memref<1x1x128xi32, #tpu.memory_space<hbm>> -> memref<128xi32, #tpu.memory_space<hbm>>
            %dma_start3A_686 = tpu.memref_slice %arg3[%dma_start3A_683, %arg1, %mul3A_682] : memref<2x16x20000xi32, #tpu.memory_space<hbm>> -> memref<1x1x128xi32, #tpu.memory_space<hbm>>
            %dma_start3A_687 = tpu.memref_squeeze %dma_start3A_686 : memref<1x1x128xi32, #tpu.memory_space<hbm>> -> memref<128xi32, #tpu.memory_space<hbm>>
            tpu.enqueue_dma source(%dma_start3A_687 : memref<128xi32, #tpu.memory_space<hbm>>) target(%arg10 : memref<128xi32, #tpu.memory_space<vmem>>) target_semaphore(%arg26 : memref<!tpu.dma_semaphore, #tpu.memory_space<semaphore_mem>>)
            %mul3A_688 = arith.constant 128 : i32
            %mul3A_689 = arith.muli %add3A_670, %mul3A_688 : i32
            %dma_start3A_690 = arith.constant 1 : i32
            %dma_start3A_691 = tpu.memref_slice %arg3[%dma_start3A_690, %arg1, %mul3A_689] : memref<2x16x20000xi32, #tpu.memory_space<hbm>> -> memref<1x1x128xi32, #tpu.memory_space<hbm>>
            %dma_start3A_692 = tpu.memref_squeeze %dma_start3A_691 : memref<1x1x128xi32, #tpu.memory_space<hbm>> -> memref<128xi32, #tpu.memory_space<hbm>>
            %dma_start3A_693 = tpu.memref_slice %arg3[%dma_start3A_690, %arg1, %mul3A_689] : memref<2x16x20000xi32, #tpu.memory_space<hbm>> -> memref<1x1x128xi32, #tpu.memory_space<hbm>>
            %dma_start3A_694 = tpu.memref_squeeze %dma_start3A_693 : memref<1x1x128xi32, #tpu.memory_space<hbm>> -> memref<128xi32, #tpu.memory_space<hbm>>
            tpu.enqueue_dma source(%dma_start3A_694 : memref<128xi32, #tpu.memory_space<hbm>>) target(%arg14 : memref<128xi32, #tpu.memory_space<vmem>>) target_semaphore(%arg26 : memref<!tpu.dma_semaphore, #tpu.memory_space<semaphore_mem>>)
          } else {
          }
          %eq3A_676 = arith.constant 1 : i32
          %eq3A_677 = arith.cmpi eq, %arg0, %eq3A_676 : i32
          %convert_element_type3A_678 = arith.extui %eq3A_677 : i1 to i32
          %cond3A_679 = arith.constant 0 : i32
          %cond3A_680 = arith.cmpi ne, %convert_element_type3A_678, %cond3A_679 : i32
          scf.if %cond3A_680 {
            %mul3A_681 = arith.constant 128 : i32
            %mul3A_682 = arith.muli %add3A_670, %mul3A_681 : i32
            %dma_start3A_683 = arith.constant 0 : i32
            %dma_start3A_684 = tpu.memref_slice %arg4[%dma_start3A_683, %arg1, %mul3A_682] : memref<2x16x20000xi32, #tpu.memory_space<hbm>> -> memref<1x1x128xi32, #tpu.memory_space<hbm>>
            %dma_start3A_685 = tpu.memref_squeeze %dma_start3A_684 : memref<1x1x128xi32, #tpu.memory_space<hbm>> -> memref<128xi32, #tpu.memory_space<hbm>>
            %dma_start3A_686 = tpu.memref_slice %arg4[%dma_start3A_683, %arg1, %mul3A_682] : memref<2x16x20000xi32, #tpu.memory_space<hbm>> -> memref<1x1x128xi32, #tpu.memory_space<hbm>>
            %dma_start3A_687 = tpu.memref_squeeze %dma_start3A_686 : memref<1x1x128xi32, #tpu.memory_space<hbm>> -> memref<128xi32, #tpu.memory_space<hbm>>
            tpu.enqueue_dma source(%dma_start3A_687 : memref<128xi32, #tpu.memory_space<hbm>>) target(%arg10 : memref<128xi32, #tpu.memory_space<vmem>>) target_semaphore(%arg26 : memref<!tpu.dma_semaphore, #tpu.memory_space<semaphore_mem>>)
            %mul3A_688 = arith.constant 128 : i32
            %mul3A_689 = arith.muli %add3A_670, %mul3A_688 : i32
            %dma_start3A_690 = arith.constant 1 : i32
            %dma_start3A_691 = tpu.memref_slice %arg4[%dma_start3A_690, %arg1, %mul3A_689] : memref<2x16x20000xi32, #tpu.memory_space<hbm>> -> memref<1x1x128xi32, #tpu.memory_space<hbm>>
            %dma_start3A_692 = tpu.memref_squeeze %dma_start3A_691 : memref<1x1x128xi32, #tpu.memory_space<hbm>> -> memref<128xi32, #tpu.memory_space<hbm>>
            %dma_start3A_693 = tpu.memref_slice %arg4[%dma_start3A_690, %arg1, %mul3A_689] : memref<2x16x20000xi32, #tpu.memory_space<hbm>> -> memref<1x1x128xi32, #tpu.memory_space<hbm>>
            %dma_start3A_694 = tpu.memref_squeeze %dma_start3A_693 : memref<1x1x128xi32, #tpu.memory_space<hbm>> -> memref<128xi32, #tpu.memory_space<hbm>>
            tpu.enqueue_dma source(%dma_start3A_694 : memref<128xi32, #tpu.memory_space<hbm>>) target(%arg14 : memref<128xi32, #tpu.memory_space<vmem>>) target_semaphore(%arg26 : memref<!tpu.dma_semaphore, #tpu.memory_space<semaphore_mem>>)
          } else {
          }
        } else {
        }
        %dma_start3A_666 = arith.constant 0 : i32
        %dma_start3A_667 = arith.constant 0 : i32
        %dma_start3A_668 = tpu.memref_slice %arg2[%dma_start3A_666, %dma_start3A_667] : memref<10000x128xf32, #tpu.memory_space<hbm>> -> memref<10000x128xf32, #tpu.memory_space<hbm>>
        tpu.enqueue_indirect_dma source(%dma_start3A_668 : memref<10000x128xf32, #tpu.memory_space<hbm>>) target(%arg17 : memref<128x128xf32, #tpu.memory_space<vmem>>) offsets(%arg9 : memref<128xi32, #tpu.memory_space<vmem>>) semaphore(%arg27 : memref<!tpu.dma_semaphore, #tpu.memory_space<semaphore_mem>>)
      } else {
      }
      %dma_wait3A_293 = arith.constant 0 : i32
      %dma_wait3A_294 = arith.constant 0 : i32
      %dma_wait3A_295 = tpu.memref_slice %arg2[%dma_wait3A_293, %dma_wait3A_294] : memref<10000x128xf32, #tpu.memory_space<hbm>> -> memref<10000x128xf32, #tpu.memory_space<hbm>>
      tpu.wait_indirect_dma semaphore(%arg28 : memref<!tpu.dma_semaphore, #tpu.memory_space<semaphore_mem>>) src(%dma_wait3A_295 : memref<10000x128xf32, #tpu.memory_space<hbm>>) dst(%arg18 : memref<128x128xf32, #tpu.memory_space<vmem>>)
      %dma_start3A_296 = arith.constant 0 : i32
      %dma_start3A_297 = arith.constant 0 : i32
      %dma_start3A_298 = tpu.memref_slice %arg21[%dma_start3A_296, %dma_start3A_297] : memref<10240x128xf32, #tpu.memory_space<vmem_shared>> -> memref<10240x128xf32, #tpu.memory_space<vmem_shared>>
      tpu.enqueue_indirect_dma source(%arg18 : memref<128x128xf32, #tpu.memory_space<vmem>>) target(%dma_start3A_298 : memref<10240x128xf32, #tpu.memory_space<vmem_shared>>) offsets(%arg12 : memref<128xi32, #tpu.memory_space<vmem>>) semaphore(%arg30 : memref<!tpu.dma_semaphore, #tpu.memory_space<semaphore_mem>>) {add = true}
      %get3A_299 = arith.constant 0 : index
      %get3A_300 = tpu.vector_load %arg12[%get3A_299] {strides = array<i32>} : memref<128xi32, #tpu.memory_space<vmem>>, vector<16xi32>,
      %broadcast_in_dim3A_301 = arith.constant true
      %broadcast_in_dim3A_302 = vector.broadcast %broadcast_in_dim3A_301 : i1 to vector<16xi1>
      %unique3A_303, %unique3A_304 = tpu.scan_count mask(%broadcast_in_dim3A_302 : vector<16xi1>) value(%get3A_300 : vector<16xi32>) : vector<16xi1>, vector<16xi32>
      %shift_right_logical3A_305 = arith.constant 7 : i32
      %shift_right_logical3A_306 = vector.broadcast %shift_right_logical3A_305 : i32 to vector<16xi32>
      %shift_right_logical3A_307 = arith.shrui %get3A_300, %shift_right_logical3A_306 : vector<16xi32>
      %and3A_308 = arith.constant 127 : i32
      %and3A_309 = vector.broadcast %and3A_308 : i32 to vector<16xi32>
      %and3A_310 = arith.andi %get3A_300, %and3A_309 : vector<16xi32>
      %convert_element_type3A_311 = arith.sitofp %unique3A_304 : vector<16xi32> to vector<16xf32>
      tpu.vector_store_idx %arg19[%shift_right_logical3A_307, %and3A_310], %convert_element_type3A_311 masked %unique3A_303 {add = true} : memref<80x128xf32, #tpu.memory_space<vmem>>[vector<16xi32>, vector<16xi32>], vector<16xf32>, vector<16xi1>
      %get3A_312 = arith.constant 16 : index
      %get3A_313 = tpu.vector_load %arg12[%get3A_312] {strides = array<i32>} : memref<128xi32, #tpu.memory_space<vmem>>, vector<16xi32>,
      %broadcast_in_dim3A_314 = arith.constant true
      %broadcast_in_dim3A_315 = vector.broadcast %broadcast_in_dim3A_314 : i1 to vector<16xi1>
      %unique3A_316, %unique3A_317 = tpu.scan_count mask(%broadcast_in_dim3A_315 : vector<16xi1>) value(%get3A_313 : vector<16xi32>) : vector<16xi1>, vector<16xi32>
      %shift_right_logical3A_318 = arith.constant 7 : i32
      %shift_right_logical3A_319 = vector.broadcast %shift_right_logical3A_318 : i32 to vector<16xi32>
      %shift_right_logical3A_320 = arith.shrui %get3A_313, %shift_right_logical3A_319 : vector<16xi32>
      %and3A_321 = arith.constant 127 : i32
      %and3A_322 = vector.broadcast %and3A_321 : i32 to vector<16xi32>
      %and3A_323 = arith.andi %get3A_313, %and3A_322 : vector<16xi32>
      %convert_element_type3A_324 = arith.sitofp %unique3A_317 : vector<16xi32> to vector<16xf32>
      tpu.vector_store_idx %arg19[%shift_right_logical3A_320, %and3A_323], %convert_element_type3A_324 masked %unique3A_316 {add = true} : memref<80x128xf32, #tpu.memory_space<vmem>>[vector<16xi32>, vector<16xi32>], vector<16xf32>, vector<16xi1>
      %get3A_325 = arith.constant 32 : index
      %get3A_326 = tpu.vector_load %arg12[%get3A_325] {strides = array<i32>} : memref<128xi32, #tpu.memory_space<vmem>>, vector<16xi32>,
      %broadcast_in_dim3A_327 = arith.constant true
      %broadcast_in_dim3A_328 = vector.broadcast %broadcast_in_dim3A_327 : i1 to vector<16xi1>
      %unique3A_329, %unique3A_330 = tpu.scan_count mask(%broadcast_in_dim3A_328 : vector<16xi1>) value(%get3A_326 : vector<16xi32>) : vector<16xi1>, vector<16xi32>
      %shift_right_logical3A_331 = arith.constant 7 : i32
      %shift_right_logical3A_332 = vector.broadcast %shift_right_logical3A_331 : i32 to vector<16xi32>
      %shift_right_logical3A_333 = arith.shrui %get3A_326, %shift_right_logical3A_332 : vector<16xi32>
      %and3A_334 = arith.constant 127 : i32
      %and3A_335 = vector.broadcast %and3A_334 : i32 to vector<16xi32>
      %and3A_336 = arith.andi %get3A_326, %and3A_335 : vector<16xi32>
      %convert_element_type3A_337 = arith.sitofp %unique3A_330 : vector<16xi32> to vector<16xf32>
      tpu.vector_store_idx %arg19[%shift_right_logical3A_333, %and3A_336], %convert_element_type3A_337 masked %unique3A_329 {add = true} : memref<80x128xf32, #tpu.memory_space<vmem>>[vector<16xi32>, vector<16xi32>], vector<16xf32>, vector<16xi1>
      %get3A_338 = arith.constant 48 : index
      %get3A_339 = tpu.vector_load %arg12[%get3A_338] {strides = array<i32>} : memref<128xi32, #tpu.memory_space<vmem>>, vector<16xi32>,
      %broadcast_in_dim3A_340 = arith.constant true
      %broadcast_in_dim3A_341 = vector.broadcast %broadcast_in_dim3A_340 : i1 to vector<16xi1>
      %unique3A_342, %unique3A_343 = tpu.scan_count mask(%broadcast_in_dim3A_341 : vector<16xi1>) value(%get3A_339 : vector<16xi32>) : vector<16xi1>, vector<16xi32>
      %shift_right_logical3A_344 = arith.constant 7 : i32
      %shift_right_logical3A_345 = vector.broadcast %shift_right_logical3A_344 : i32 to vector<16xi32>
      %shift_right_logical3A_346 = arith.shrui %get3A_339, %shift_right_logical3A_345 : vector<16xi32>
      %and3A_347 = arith.constant 127 : i32
      %and3A_348 = vector.broadcast %and3A_347 : i32 to vector<16xi32>
      %and3A_349 = arith.andi %get3A_339, %and3A_348 : vector<16xi32>
      %convert_element_type3A_350 = arith.sitofp %unique3A_343 : vector<16xi32> to vector<16xf32>
      tpu.vector_store_idx %arg19[%shift_right_logical3A_346, %and3A_349], %convert_element_type3A_350 masked %unique3A_342 {add = true} : memref<80x128xf32, #tpu.memory_space<vmem>>[vector<16xi32>, vector<16xi32>], vector<16xf32>, vector<16xi1>
      %get3A_351 = arith.constant 64 : index
      %get3A_352 = tpu.vector_load %arg12[%get3A_351] {strides = array<i32>} : memref<128xi32, #tpu.memory_space<vmem>>, vector<16xi32>,
      %broadcast_in_dim3A_353 = arith.constant true
      %broadcast_in_dim3A_354 = vector.broadcast %broadcast_in_dim3A_353 : i1 to vector<16xi1>
      %unique3A_355, %unique3A_356 = tpu.scan_count mask(%broadcast_in_dim3A_354 : vector<16xi1>) value(%get3A_352 : vector<16xi32>) : vector<16xi1>, vector<16xi32>
      %shift_right_logical3A_357 = arith.constant 7 : i32
      %shift_right_logical3A_358 = vector.broadcast %shift_right_logical3A_357 : i32 to vector<16xi32>
      %shift_right_logical3A_359 = arith.shrui %get3A_352, %shift_right_logical3A_358 : vector<16xi32>
      %and3A_360 = arith.constant 127 : i32
      %and3A_361 = vector.broadcast %and3A_360 : i32 to vector<16xi32>
      %and3A_362 = arith.andi %get3A_352, %and3A_361 : vector<16xi32>
      %convert_element_type3A_363 = arith.sitofp %unique3A_356 : vector<16xi32> to vector<16xf32>
      tpu.vector_store_idx %arg19[%shift_right_logical3A_359, %and3A_362], %convert_element_type3A_363 masked %unique3A_355 {add = true} : memref<80x128xf32, #tpu.memory_space<vmem>>[vector<16xi32>, vector<16xi32>], vector<16xf32>, vector<16xi1>
      %get3A_364 = arith.constant 80 : index
      %get3A_365 = tpu.vector_load %arg12[%get3A_364] {strides = array<i32>} : memref<128xi32, #tpu.memory_space<vmem>>, vector<16xi32>,
      %broadcast_in_dim3A_366 = arith.constant true
      %broadcast_in_dim3A_367 = vector.broadcast %broadcast_in_dim3A_366 : i1 to vector<16xi1>
      %unique3A_368, %unique3A_369 = tpu.scan_count mask(%broadcast_in_dim3A_367 : vector<16xi1>) value(%get3A_365 : vector<16xi32>) : vector<16xi1>, vector<16xi32>
      %shift_right_logical3A_370 = arith.constant 7 : i32
      %shift_right_logical3A_371 = vector.broadcast %shift_right_logical3A_370 : i32 to vector<16xi32>
      %shift_right_logical3A_372 = arith.shrui %get3A_365, %shift_right_logical3A_371 : vector<16xi32>
      %and3A_373 = arith.constant 127 : i32
      %and3A_374 = vector.broadcast %and3A_373 : i32 to vector<16xi32>
      %and3A_375 = arith.andi %get3A_365, %and3A_374 : vector<16xi32>
      %convert_element_type3A_376 = arith.sitofp %unique3A_369 : vector<16xi32> to vector<16xf32>
      tpu.vector_store_idx %arg19[%shift_right_logical3A_372, %and3A_375], %convert_element_type3A_376 masked %unique3A_368 {add = true} : memref<80x128xf32, #tpu.memory_space<vmem>>[vector<16xi32>, vector<16xi32>], vector<16xf32>, vector<16xi1>
      %get3A_377 = arith.constant 96 : index
      %get3A_378 = tpu.vector_load %arg12[%get3A_377] {strides = array<i32>} : memref<128xi32, #tpu.memory_space<vmem>>, vector<16xi32>,
      %broadcast_in_dim3A_379 = arith.constant true
      %broadcast_in_dim3A_380 = vector.broadcast %broadcast_in_dim3A_379 : i1 to vector<16xi1>
      %unique3A_381, %unique3A_382 = tpu.scan_count mask(%broadcast_in_dim3A_380 : vector<16xi1>) value(%get3A_378 : vector<16xi32>) : vector<16xi1>, vector<16xi32>
      %shift_right_logical3A_383 = arith.constant 7 : i32
      %shift_right_logical3A_384 = vector.broadcast %shift_right_logical3A_383 : i32 to vector<16xi32>
      %shift_right_logical3A_385 = arith.shrui %get3A_378, %shift_right_logical3A_384 : vector<16xi32>
      %and3A_386 = arith.constant 127 : i32
      %and3A_387 = vector.broadcast %and3A_386 : i32 to vector<16xi32>
      %and3A_388 = arith.andi %get3A_378, %and3A_387 : vector<16xi32>
      %convert_element_type3A_389 = arith.sitofp %unique3A_382 : vector<16xi32> to vector<16xf32>
      tpu.vector_store_idx %arg19[%shift_right_logical3A_385, %and3A_388], %convert_element_type3A_389 masked %unique3A_381 {add = true} : memref<80x128xf32, #tpu.memory_space<vmem>>[vector<16xi32>, vector<16xi32>], vector<16xf32>, vector<16xi1>
      %get3A_390 = arith.constant 112 : index
      %get3A_391 = tpu.vector_load %arg12[%get3A_390] {strides = array<i32>} : memref<128xi32, #tpu.memory_space<vmem>>, vector<16xi32>,
      %broadcast_in_dim3A_392 = arith.constant true
      %broadcast_in_dim3A_393 = vector.broadcast %broadcast_in_dim3A_392 : i1 to vector<16xi1>
      %unique3A_394, %unique3A_395 = tpu.scan_count mask(%broadcast_in_dim3A_393 : vector<16xi1>) value(%get3A_391 : vector<16xi32>) : vector<16xi1>, vector<16xi32>
      %shift_right_logical3A_396 = arith.constant 7 : i32
      %shift_right_logical3A_397 = vector.broadcast %shift_right_logical3A_396 : i32 to vector<16xi32>
      %shift_right_logical3A_398 = arith.shrui %get3A_391, %shift_right_logical3A_397 : vector<16xi32>
      %and3A_399 = arith.constant 127 : i32
      %and3A_400 = vector.broadcast %and3A_399 : i32 to vector<16xi32>
      %and3A_401 = arith.andi %get3A_391, %and3A_400 : vector<16xi32>
      %convert_element_type3A_402 = arith.sitofp %unique3A_395 : vector<16xi32> to vector<16xf32>
      tpu.vector_store_idx %arg19[%shift_right_logical3A_398, %and3A_401], %convert_element_type3A_402 masked %unique3A_394 {add = true} : memref<80x128xf32, #tpu.memory_space<vmem>>[vector<16xi32>, vector<16xi32>], vector<16xf32>, vector<16xi1>
      %mul3A_403 = arith.constant 4 : i32
      %mul3A_404 = arith.muli %mul3A_403, %scan3A_164 : i32
      %add3A_405 = arith.constant 2 : i32
      %add3A_406 = arith.addi %mul3A_404, %add3A_405 : i32
      %lt3A_407 = arith.constant 155 : i32
      %lt3A_408 = arith.cmpi slt, %add3A_406, %lt3A_407 : i32
      %convert_element_type3A_409 = arith.extui %lt3A_408 : i1 to i32
      %cond3A_410 = arith.constant 0 : i32
      %cond3A_411 = arith.cmpi ne, %convert_element_type3A_409, %cond3A_410 : i32
      scf.if %cond3A_411 {
        %add3A_641 = arith.constant 1 : i32
        %add3A_642 = arith.addi %add3A_406, %add3A_641 : i32
        %mul3A_643 = arith.constant 128 : i32
        %mul3A_644 = arith.muli %add3A_642, %mul3A_643 : i32
        %dma_wait3A_645 = arith.constant 0 : i32
        %dma_wait3A_646 = tpu.memref_slice %arg3[%dma_wait3A_645, %arg1, %mul3A_644] : memref<2x16x20000xi32, #tpu.memory_space<hbm>> -> memref<1x1x128xi32, #tpu.memory_space<hbm>>
        %dma_wait3A_647 = tpu.memref_squeeze %dma_wait3A_646 : memref<1x1x128xi32, #tpu.memory_space<hbm>> -> memref<128xi32, #tpu.memory_space<hbm>>
        %dma_wait3A_648 = tpu.memref_slice %arg3[%dma_wait3A_645, %arg1, %mul3A_644] : memref<2x16x20000xi32, #tpu.memory_space<hbm>> -> memref<1x1x128xi32, #tpu.memory_space<hbm>>
        %dma_wait3A_649 = tpu.memref_squeeze %dma_wait3A_648 : memref<1x1x128xi32, #tpu.memory_space<hbm>> -> memref<128xi32, #tpu.memory_space<hbm>>
        tpu.wait_dma2 semaphore(%arg26 : memref<!tpu.dma_semaphore, #tpu.memory_space<semaphore_mem>>) src(%dma_wait3A_649 : memref<128xi32, #tpu.memory_space<hbm>>) dst(%arg10 : memref<128xi32, #tpu.memory_space<vmem>>)
        %mul3A_650 = arith.constant 128 : i32
        %mul3A_651 = arith.muli %add3A_642, %mul3A_650 : i32
        %dma_wait3A_652 = arith.constant 1 : i32
        %dma_wait3A_653 = tpu.memref_slice %arg3[%dma_wait3A_652, %arg1, %mul3A_651] : memref<2x16x20000xi32, #tpu.memory_space<hbm>> -> memref<1x1x128xi32, #tpu.memory_space<hbm>>
        %dma_wait3A_654 = tpu.memref_squeeze %dma_wait3A_653 : memref<1x1x128xi32, #tpu.memory_space<hbm>> -> memref<128xi32, #tpu.memory_space<hbm>>
        %dma_wait3A_655 = tpu.memref_slice %arg3[%dma_wait3A_652, %arg1, %mul3A_651] : memref<2x16x20000xi32, #tpu.memory_space<hbm>> -> memref<1x1x128xi32, #tpu.memory_space<hbm>>
        %dma_wait3A_656 = tpu.memref_squeeze %dma_wait3A_655 : memref<1x1x128xi32, #tpu.memory_space<hbm>> -> memref<128xi32, #tpu.memory_space<hbm>>
        tpu.wait_dma2 semaphore(%arg26 : memref<!tpu.dma_semaphore, #tpu.memory_space<semaphore_mem>>) src(%dma_wait3A_656 : memref<128xi32, #tpu.memory_space<hbm>>) dst(%arg14 : memref<128xi32, #tpu.memory_space<vmem>>)
        %ge3A = arith.constant 1 : i32
        %ge3A_657 = arith.cmpi sge, %add3A_406, %ge3A : i32
        %convert_element_type3A_658 = arith.extui %ge3A_657 : i1 to i32
        %cond3A_659 = arith.constant 0 : i32
        %cond3A_660 = arith.cmpi ne, %convert_element_type3A_658, %cond3A_659 : i32
        scf.if %cond3A_660 {
          %dma_wait3A_669 = arith.constant 0 : i32
          %dma_wait3A_670 = arith.constant 0 : i32
          %dma_wait3A_671 = tpu.memref_slice %arg21[%dma_wait3A_669, %dma_wait3A_670] : memref<10240x128xf32, #tpu.memory_space<vmem_shared>> -> memref<10240x128xf32, #tpu.memory_space<vmem_shared>>
          tpu.wait_indirect_dma semaphore(%arg30 : memref<!tpu.dma_semaphore, #tpu.memory_space<semaphore_mem>>) src(%arg18 : memref<128x128xf32, #tpu.memory_space<vmem>>) dst(%dma_wait3A_671 : memref<10240x128xf32, #tpu.memory_space<vmem_shared>>)
        } else {
        }
        %lt3A_661 = arith.constant 154 : i32
        %lt3A_662 = arith.cmpi slt, %add3A_406, %lt3A_661 : i32
        %convert_element_type3A_663 = arith.extui %lt3A_662 : i1 to i32
        %cond3A_664 = arith.constant 0 : i32
        %cond3A_665 = arith.cmpi ne, %convert_element_type3A_663, %cond3A_664 : i32
        scf.if %cond3A_665 {
          %add3A_669 = arith.constant 2 : i32
          %add3A_670 = arith.addi %add3A_406, %add3A_669 : i32
          %eq3A_671 = arith.constant 0 : i32
          %eq3A_672 = arith.cmpi eq, %arg0, %eq3A_671 : i32
          %convert_element_type3A_673 = arith.extui %eq3A_672 : i1 to i32
          %cond3A_674 = arith.constant 0 : i32
          %cond3A_675 = arith.cmpi ne, %convert_element_type3A_673, %cond3A_674 : i32
          scf.if %cond3A_675 {
            %mul3A_681 = arith.constant 128 : i32
            %mul3A_682 = arith.muli %add3A_670, %mul3A_681 : i32
            %dma_start3A_683 = arith.constant 0 : i32
            %dma_start3A_684 = tpu.memref_slice %arg3[%dma_start3A_683, %arg1, %mul3A_682] : memref<2x16x20000xi32, #tpu.memory_space<hbm>> -> memref<1x1x128xi32, #tpu.memory_space<hbm>>
            %dma_start3A_685 = tpu.memref_squeeze %dma_start3A_684 : memref<1x1x128xi32, #tpu.memory_space<hbm>> -> memref<128xi32, #tpu.memory_space<hbm>>
            %dma_start3A_686 = tpu.memref_slice %arg3[%dma_start3A_683, %arg1, %mul3A_682] : memref<2x16x20000xi32, #tpu.memory_space<hbm>> -> memref<1x1x128xi32, #tpu.memory_space<hbm>>
            %dma_start3A_687 = tpu.memref_squeeze %dma_start3A_686 : memref<1x1x128xi32, #tpu.memory_space<hbm>> -> memref<128xi32, #tpu.memory_space<hbm>>
            tpu.enqueue_dma source(%dma_start3A_687 : memref<128xi32, #tpu.memory_space<hbm>>) target(%arg7 : memref<128xi32, #tpu.memory_space<vmem>>) target_semaphore(%arg23 : memref<!tpu.dma_semaphore, #tpu.memory_space<semaphore_mem>>)
            %mul3A_688 = arith.constant 128 : i32
            %mul3A_689 = arith.muli %add3A_670, %mul3A_688 : i32
            %dma_start3A_690 = arith.constant 1 : i32
            %dma_start3A_691 = tpu.memref_slice %arg3[%dma_start3A_690, %arg1, %mul3A_689] : memref<2x16x20000xi32, #tpu.memory_space<hbm>> -> memref<1x1x128xi32, #tpu.memory_space<hbm>>
            %dma_start3A_692 = tpu.memref_squeeze %dma_start3A_691 : memref<1x1x128xi32, #tpu.memory_space<hbm>> -> memref<128xi32, #tpu.memory_space<hbm>>
            %dma_start3A_693 = tpu.memref_slice %arg3[%dma_start3A_690, %arg1, %mul3A_689] : memref<2x16x20000xi32, #tpu.memory_space<hbm>> -> memref<1x1x128xi32, #tpu.memory_space<hbm>>
            %dma_start3A_694 = tpu.memref_squeeze %dma_start3A_693 : memref<1x1x128xi32, #tpu.memory_space<hbm>> -> memref<128xi32, #tpu.memory_space<hbm>>
            tpu.enqueue_dma source(%dma_start3A_694 : memref<128xi32, #tpu.memory_space<hbm>>) target(%arg11 : memref<128xi32, #tpu.memory_space<vmem>>) target_semaphore(%arg23 : memref<!tpu.dma_semaphore, #tpu.memory_space<semaphore_mem>>)
          } else {
          }
          %eq3A_676 = arith.constant 1 : i32
          %eq3A_677 = arith.cmpi eq, %arg0, %eq3A_676 : i32
          %convert_element_type3A_678 = arith.extui %eq3A_677 : i1 to i32
          %cond3A_679 = arith.constant 0 : i32
          %cond3A_680 = arith.cmpi ne, %convert_element_type3A_678, %cond3A_679 : i32
          scf.if %cond3A_680 {
            %mul3A_681 = arith.constant 128 : i32
            %mul3A_682 = arith.muli %add3A_670, %mul3A_681 : i32
            %dma_start3A_683 = arith.constant 0 : i32
            %dma_start3A_684 = tpu.memref_slice %arg4[%dma_start3A_683, %arg1, %mul3A_682] : memref<2x16x20000xi32, #tpu.memory_space<hbm>> -> memref<1x1x128xi32, #tpu.memory_space<hbm>>
            %dma_start3A_685 = tpu.memref_squeeze %dma_start3A_684 : memref<1x1x128xi32, #tpu.memory_space<hbm>> -> memref<128xi32, #tpu.memory_space<hbm>>
            %dma_start3A_686 = tpu.memref_slice %arg4[%dma_start3A_683, %arg1, %mul3A_682] : memref<2x16x20000xi32, #tpu.memory_space<hbm>> -> memref<1x1x128xi32, #tpu.memory_space<hbm>>
            %dma_start3A_687 = tpu.memref_squeeze %dma_start3A_686 : memref<1x1x128xi32, #tpu.memory_space<hbm>> -> memref<128xi32, #tpu.memory_space<hbm>>
            tpu.enqueue_dma source(%dma_start3A_687 : memref<128xi32, #tpu.memory_space<hbm>>) target(%arg7 : memref<128xi32, #tpu.memory_space<vmem>>) target_semaphore(%arg23 : memref<!tpu.dma_semaphore, #tpu.memory_space<semaphore_mem>>)
            %mul3A_688 = arith.constant 128 : i32
            %mul3A_689 = arith.muli %add3A_670, %mul3A_688 : i32
            %dma_start3A_690 = arith.constant 1 : i32
            %dma_start3A_691 = tpu.memref_slice %arg4[%dma_start3A_690, %arg1, %mul3A_689] : memref<2x16x20000xi32, #tpu.memory_space<hbm>> -> memref<1x1x128xi32, #tpu.memory_space<hbm>>
            %dma_start3A_692 = tpu.memref_squeeze %dma_start3A_691 : memref<1x1x128xi32, #tpu.memory_space<hbm>> -> memref<128xi32, #tpu.memory_space<hbm>>
            %dma_start3A_693 = tpu.memref_slice %arg4[%dma_start3A_690, %arg1, %mul3A_689] : memref<2x16x20000xi32, #tpu.memory_space<hbm>> -> memref<1x1x128xi32, #tpu.memory_space<hbm>>
            %dma_start3A_694 = tpu.memref_squeeze %dma_start3A_693 : memref<1x1x128xi32, #tpu.memory_space<hbm>> -> memref<128xi32, #tpu.memory_space<hbm>>
            tpu.enqueue_dma source(%dma_start3A_694 : memref<128xi32, #tpu.memory_space<hbm>>) target(%arg11 : memref<128xi32, #tpu.memory_space<vmem>>) target_semaphore(%arg23 : memref<!tpu.dma_semaphore, #tpu.memory_space<semaphore_mem>>)
          } else {
          }
        } else {
        }
        %dma_start3A_666 = arith.constant 0 : i32
        %dma_start3A_667 = arith.constant 0 : i32
        %dma_start3A_668 = tpu.memref_slice %arg2[%dma_start3A_666, %dma_start3A_667] : memref<10000x128xf32, #tpu.memory_space<hbm>> -> memref<10000x128xf32, #tpu.memory_space<hbm>>
        tpu.enqueue_indirect_dma source(%dma_start3A_668 : memref<10000x128xf32, #tpu.memory_space<hbm>>) target(%arg18 : memref<128x128xf32, #tpu.memory_space<vmem>>) offsets(%arg10 : memref<128xi32, #tpu.memory_space<vmem>>) semaphore(%arg28 : memref<!tpu.dma_semaphore, #tpu.memory_space<semaphore_mem>>)
      } else {
      }
      %dma_wait3A_412 = arith.constant 0 : i32
      %dma_wait3A_413 = arith.constant 0 : i32
      %dma_wait3A_414 = tpu.memref_slice %arg2[%dma_wait3A_412, %dma_wait3A_413] : memref<10000x128xf32, #tpu.memory_space<hbm>> -> memref<10000x128xf32, #tpu.memory_space<hbm>>
      tpu.wait_indirect_dma semaphore(%arg27 : memref<!tpu.dma_semaphore, #tpu.memory_space<semaphore_mem>>) src(%dma_wait3A_414 : memref<10000x128xf32, #tpu.memory_space<hbm>>) dst(%arg17 : memref<128x128xf32, #tpu.memory_space<vmem>>)
      %dma_start3A_415 = arith.constant 0 : i32
      %dma_start3A_416 = arith.constant 0 : i32
      %dma_start3A_417 = tpu.memref_slice %arg21[%dma_start3A_415, %dma_start3A_416] : memref<10240x128xf32, #tpu.memory_space<vmem_shared>> -> memref<10240x128xf32, #tpu.memory_space<vmem_shared>>
      tpu.enqueue_indirect_dma source(%arg17 : memref<128x128xf32, #tpu.memory_space<vmem>>) target(%dma_start3A_417 : memref<10240x128xf32, #tpu.memory_space<vmem_shared>>) offsets(%arg13 : memref<128xi32, #tpu.memory_space<vmem>>) semaphore(%arg29 : memref<!tpu.dma_semaphore, #tpu.memory_space<semaphore_mem>>) {add = true}
      %get3A_418 = arith.constant 0 : index
      %get3A_419 = tpu.vector_load %arg13[%get3A_418] {strides = array<i32>} : memref<128xi32, #tpu.memory_space<vmem>>, vector<16xi32>,
      %broadcast_in_dim3A_420 = arith.constant true
      %broadcast_in_dim3A_421 = vector.broadcast %broadcast_in_dim3A_420 : i1 to vector<16xi1>
      %unique3A_422, %unique3A_423 = tpu.scan_count mask(%broadcast_in_dim3A_421 : vector<16xi1>) value(%get3A_419 : vector<16xi32>) : vector<16xi1>, vector<16xi32>
      %shift_right_logical3A_424 = arith.constant 7 : i32
      %shift_right_logical3A_425 = vector.broadcast %shift_right_logical3A_424 : i32 to vector<16xi32>
      %shift_right_logical3A_426 = arith.shrui %get3A_419, %shift_right_logical3A_425 : vector<16xi32>
      %and3A_427 = arith.constant 127 : i32
      %and3A_428 = vector.broadcast %and3A_427 : i32 to vector<16xi32>
      %and3A_429 = arith.andi %get3A_419, %and3A_428 : vector<16xi32>
      %convert_element_type3A_430 = arith.sitofp %unique3A_423 : vector<16xi32> to vector<16xf32>
      tpu.vector_store_idx %arg19[%shift_right_logical3A_426, %and3A_429], %convert_element_type3A_430 masked %unique3A_422 {add = true} : memref<80x128xf32, #tpu.memory_space<vmem>>[vector<16xi32>, vector<16xi32>], vector<16xf32>, vector<16xi1>
      %get3A_431 = arith.constant 16 : index
      %get3A_432 = tpu.vector_load %arg13[%get3A_431] {strides = array<i32>} : memref<128xi32, #tpu.memory_space<vmem>>, vector<16xi32>,
      %broadcast_in_dim3A_433 = arith.constant true
      %broadcast_in_dim3A_434 = vector.broadcast %broadcast_in_dim3A_433 : i1 to vector<16xi1>
      %unique3A_435, %unique3A_436 = tpu.scan_count mask(%broadcast_in_dim3A_434 : vector<16xi1>) value(%get3A_432 : vector<16xi32>) : vector<16xi1>, vector<16xi32>
      %shift_right_logical3A_437 = arith.constant 7 : i32
      %shift_right_logical3A_438 = vector.broadcast %shift_right_logical3A_437 : i32 to vector<16xi32>
      %shift_right_logical3A_439 = arith.shrui %get3A_432, %shift_right_logical3A_438 : vector<16xi32>
      %and3A_440 = arith.constant 127 : i32
      %and3A_441 = vector.broadcast %and3A_440 : i32 to vector<16xi32>
      %and3A_442 = arith.andi %get3A_432, %and3A_441 : vector<16xi32>
      %convert_element_type3A_443 = arith.sitofp %unique3A_436 : vector<16xi32> to vector<16xf32>
      tpu.vector_store_idx %arg19[%shift_right_logical3A_439, %and3A_442], %convert_element_type3A_443 masked %unique3A_435 {add = true} : memref<80x128xf32, #tpu.memory_space<vmem>>[vector<16xi32>, vector<16xi32>], vector<16xf32>, vector<16xi1>
      %get3A_444 = arith.constant 32 : index
      %get3A_445 = tpu.vector_load %arg13[%get3A_444] {strides = array<i32>} : memref<128xi32, #tpu.memory_space<vmem>>, vector<16xi32>,
      %broadcast_in_dim3A_446 = arith.constant true
      %broadcast_in_dim3A_447 = vector.broadcast %broadcast_in_dim3A_446 : i1 to vector<16xi1>
      %unique3A_448, %unique3A_449 = tpu.scan_count mask(%broadcast_in_dim3A_447 : vector<16xi1>) value(%get3A_445 : vector<16xi32>) : vector<16xi1>, vector<16xi32>
      %shift_right_logical3A_450 = arith.constant 7 : i32
      %shift_right_logical3A_451 = vector.broadcast %shift_right_logical3A_450 : i32 to vector<16xi32>
      %shift_right_logical3A_452 = arith.shrui %get3A_445, %shift_right_logical3A_451 : vector<16xi32>
      %and3A_453 = arith.constant 127 : i32
      %and3A_454 = vector.broadcast %and3A_453 : i32 to vector<16xi32>
      %and3A_455 = arith.andi %get3A_445, %and3A_454 : vector<16xi32>
      %convert_element_type3A_456 = arith.sitofp %unique3A_449 : vector<16xi32> to vector<16xf32>
      tpu.vector_store_idx %arg19[%shift_right_logical3A_452, %and3A_455], %convert_element_type3A_456 masked %unique3A_448 {add = true} : memref<80x128xf32, #tpu.memory_space<vmem>>[vector<16xi32>, vector<16xi32>], vector<16xf32>, vector<16xi1>
      %get3A_457 = arith.constant 48 : index
      %get3A_458 = tpu.vector_load %arg13[%get3A_457] {strides = array<i32>} : memref<128xi32, #tpu.memory_space<vmem>>, vector<16xi32>,
      %broadcast_in_dim3A_459 = arith.constant true
      %broadcast_in_dim3A_460 = vector.broadcast %broadcast_in_dim3A_459 : i1 to vector<16xi1>
      %unique3A_461, %unique3A_462 = tpu.scan_count mask(%broadcast_in_dim3A_460 : vector<16xi1>) value(%get3A_458 : vector<16xi32>) : vector<16xi1>, vector<16xi32>
      %shift_right_logical3A_463 = arith.constant 7 : i32
      %shift_right_logical3A_464 = vector.broadcast %shift_right_logical3A_463 : i32 to vector<16xi32>
      %shift_right_logical3A_465 = arith.shrui %get3A_458, %shift_right_logical3A_464 : vector<16xi32>
      %and3A_466 = arith.constant 127 : i32
      %and3A_467 = vector.broadcast %and3A_466 : i32 to vector<16xi32>
      %and3A_468 = arith.andi %get3A_458, %and3A_467 : vector<16xi32>
      %convert_element_type3A_469 = arith.sitofp %unique3A_462 : vector<16xi32> to vector<16xf32>
      tpu.vector_store_idx %arg19[%shift_right_logical3A_465, %and3A_468], %convert_element_type3A_469 masked %unique3A_461 {add = true} : memref<80x128xf32, #tpu.memory_space<vmem>>[vector<16xi32>, vector<16xi32>], vector<16xf32>, vector<16xi1>
      %get3A_470 = arith.constant 64 : index
      %get3A_471 = tpu.vector_load %arg13[%get3A_470] {strides = array<i32>} : memref<128xi32, #tpu.memory_space<vmem>>, vector<16xi32>,
      %broadcast_in_dim3A_472 = arith.constant true
      %broadcast_in_dim3A_473 = vector.broadcast %broadcast_in_dim3A_472 : i1 to vector<16xi1>
      %unique3A_474, %unique3A_475 = tpu.scan_count mask(%broadcast_in_dim3A_473 : vector<16xi1>) value(%get3A_471 : vector<16xi32>) : vector<16xi1>, vector<16xi32>
      %shift_right_logical3A_476 = arith.constant 7 : i32
      %shift_right_logical3A_477 = vector.broadcast %shift_right_logical3A_476 : i32 to vector<16xi32>
      %shift_right_logical3A_478 = arith.shrui %get3A_471, %shift_right_logical3A_477 : vector<16xi32>
      %and3A_479 = arith.constant 127 : i32
      %and3A_480 = vector.broadcast %and3A_479 : i32 to vector<16xi32>
      %and3A_481 = arith.andi %get3A_471, %and3A_480 : vector<16xi32>
      %convert_element_type3A_482 = arith.sitofp %unique3A_475 : vector<16xi32> to vector<16xf32>
      tpu.vector_store_idx %arg19[%shift_right_logical3A_478, %and3A_481], %convert_element_type3A_482 masked %unique3A_474 {add = true} : memref<80x128xf32, #tpu.memory_space<vmem>>[vector<16xi32>, vector<16xi32>], vector<16xf32>, vector<16xi1>
      %get3A_483 = arith.constant 80 : index
      %get3A_484 = tpu.vector_load %arg13[%get3A_483] {strides = array<i32>} : memref<128xi32, #tpu.memory_space<vmem>>, vector<16xi32>,
      %broadcast_in_dim3A_485 = arith.constant true
      %broadcast_in_dim3A_486 = vector.broadcast %broadcast_in_dim3A_485 : i1 to vector<16xi1>
      %unique3A_487, %unique3A_488 = tpu.scan_count mask(%broadcast_in_dim3A_486 : vector<16xi1>) value(%get3A_484 : vector<16xi32>) : vector<16xi1>, vector<16xi32>
      %shift_right_logical3A_489 = arith.constant 7 : i32
      %shift_right_logical3A_490 = vector.broadcast %shift_right_logical3A_489 : i32 to vector<16xi32>
      %shift_right_logical3A_491 = arith.shrui %get3A_484, %shift_right_logical3A_490 : vector<16xi32>
      %and3A_492 = arith.constant 127 : i32
      %and3A_493 = vector.broadcast %and3A_492 : i32 to vector<16xi32>
      %and3A_494 = arith.andi %get3A_484, %and3A_493 : vector<16xi32>
      %convert_element_type3A_495 = arith.sitofp %unique3A_488 : vector<16xi32> to vector<16xf32>
      tpu.vector_store_idx %arg19[%shift_right_logical3A_491, %and3A_494], %convert_element_type3A_495 masked %unique3A_487 {add = true} : memref<80x128xf32, #tpu.memory_space<vmem>>[vector<16xi32>, vector<16xi32>], vector<16xf32>, vector<16xi1>
      %get3A_496 = arith.constant 96 : index
      %get3A_497 = tpu.vector_load %arg13[%get3A_496] {strides = array<i32>} : memref<128xi32, #tpu.memory_space<vmem>>, vector<16xi32>,
      %broadcast_in_dim3A_498 = arith.constant true
      %broadcast_in_dim3A_499 = vector.broadcast %broadcast_in_dim3A_498 : i1 to vector<16xi1>
      %unique3A_500, %unique3A_501 = tpu.scan_count mask(%broadcast_in_dim3A_499 : vector<16xi1>) value(%get3A_497 : vector<16xi32>) : vector<16xi1>, vector<16xi32>
      %shift_right_logical3A_502 = arith.constant 7 : i32
      %shift_right_logical3A_503 = vector.broadcast %shift_right_logical3A_502 : i32 to vector<16xi32>
      %shift_right_logical3A_504 = arith.shrui %get3A_497, %shift_right_logical3A_503 : vector<16xi32>
      %and3A_505 = arith.constant 127 : i32
      %and3A_506 = vector.broadcast %and3A_505 : i32 to vector<16xi32>
      %and3A_507 = arith.andi %get3A_497, %and3A_506 : vector<16xi32>
      %convert_element_type3A_508 = arith.sitofp %unique3A_501 : vector<16xi32> to vector<16xf32>
      tpu.vector_store_idx %arg19[%shift_right_logical3A_504, %and3A_507], %convert_element_type3A_508 masked %unique3A_500 {add = true} : memref<80x128xf32, #tpu.memory_space<vmem>>[vector<16xi32>, vector<16xi32>], vector<16xf32>, vector<16xi1>
      %get3A_509 = arith.constant 112 : index
      %get3A_510 = tpu.vector_load %arg13[%get3A_509] {strides = array<i32>} : memref<128xi32, #tpu.memory_space<vmem>>, vector<16xi32>,
      %broadcast_in_dim3A_511 = arith.constant true
      %broadcast_in_dim3A_512 = vector.broadcast %broadcast_in_dim3A_511 : i1 to vector<16xi1>
      %unique3A_513, %unique3A_514 = tpu.scan_count mask(%broadcast_in_dim3A_512 : vector<16xi1>) value(%get3A_510 : vector<16xi32>) : vector<16xi1>, vector<16xi32>
      %shift_right_logical3A_515 = arith.constant 7 : i32
      %shift_right_logical3A_516 = vector.broadcast %shift_right_logical3A_515 : i32 to vector<16xi32>
      %shift_right_logical3A_517 = arith.shrui %get3A_510, %shift_right_logical3A_516 : vector<16xi32>
      %and3A_518 = arith.constant 127 : i32
      %and3A_519 = vector.broadcast %and3A_518 : i32 to vector<16xi32>
      %and3A_520 = arith.andi %get3A_510, %and3A_519 : vector<16xi32>
      %convert_element_type3A_521 = arith.sitofp %unique3A_514 : vector<16xi32> to vector<16xf32>
      tpu.vector_store_idx %arg19[%shift_right_logical3A_517, %and3A_520], %convert_element_type3A_521 masked %unique3A_513 {add = true} : memref<80x128xf32, #tpu.memory_space<vmem>>[vector<16xi32>, vector<16xi32>], vector<16xf32>, vector<16xi1>
      %mul3A_522 = arith.constant 4 : i32
      %mul3A_523 = arith.muli %mul3A_522, %scan3A_164 : i32
      %add3A_524 = arith.constant 3 : i32
      %add3A_525 = arith.addi %mul3A_523, %add3A_524 : i32
      %lt3A_526 = arith.constant 155 : i32
      %lt3A_527 = arith.cmpi slt, %add3A_525, %lt3A_526 : i32
      %convert_element_type3A_528 = arith.extui %lt3A_527 : i1 to i32
      %cond3A_529 = arith.constant 0 : i32
      %cond3A_530 = arith.cmpi ne, %convert_element_type3A_528, %cond3A_529 : i32
      scf.if %cond3A_530 {
        %add3A_641 = arith.constant 1 : i32
        %add3A_642 = arith.addi %add3A_525, %add3A_641 : i32
        %mul3A_643 = arith.constant 128 : i32
        %mul3A_644 = arith.muli %add3A_642, %mul3A_643 : i32
        %dma_wait3A_645 = arith.constant 0 : i32
        %dma_wait3A_646 = tpu.memref_slice %arg3[%dma_wait3A_645, %arg1, %mul3A_644] : memref<2x16x20000xi32, #tpu.memory_space<hbm>> -> memref<1x1x128xi32, #tpu.memory_space<hbm>>
        %dma_wait3A_647 = tpu.memref_squeeze %dma_wait3A_646 : memref<1x1x128xi32, #tpu.memory_space<hbm>> -> memref<128xi32, #tpu.memory_space<hbm>>
        %dma_wait3A_648 = tpu.memref_slice %arg3[%dma_wait3A_645, %arg1, %mul3A_644] : memref<2x16x20000xi32, #tpu.memory_space<hbm>> -> memref<1x1x128xi32, #tpu.memory_space<hbm>>
        %dma_wait3A_649 = tpu.memref_squeeze %dma_wait3A_648 : memref<1x1x128xi32, #tpu.memory_space<hbm>> -> memref<128xi32, #tpu.memory_space<hbm>>
        tpu.wait_dma2 semaphore(%arg23 : memref<!tpu.dma_semaphore, #tpu.memory_space<semaphore_mem>>) src(%dma_wait3A_649 : memref<128xi32, #tpu.memory_space<hbm>>) dst(%arg7 : memref<128xi32, #tpu.memory_space<vmem>>)
        %mul3A_650 = arith.constant 128 : i32
        %mul3A_651 = arith.muli %add3A_642, %mul3A_650 : i32
        %dma_wait3A_652 = arith.constant 1 : i32
        %dma_wait3A_653 = tpu.memref_slice %arg3[%dma_wait3A_652, %arg1, %mul3A_651] : memref<2x16x20000xi32, #tpu.memory_space<hbm>> -> memref<1x1x128xi32, #tpu.memory_space<hbm>>
        %dma_wait3A_654 = tpu.memref_squeeze %dma_wait3A_653 : memref<1x1x128xi32, #tpu.memory_space<hbm>> -> memref<128xi32, #tpu.memory_space<hbm>>
        %dma_wait3A_655 = tpu.memref_slice %arg3[%dma_wait3A_652, %arg1, %mul3A_651] : memref<2x16x20000xi32, #tpu.memory_space<hbm>> -> memref<1x1x128xi32, #tpu.memory_space<hbm>>
        %dma_wait3A_656 = tpu.memref_squeeze %dma_wait3A_655 : memref<1x1x128xi32, #tpu.memory_space<hbm>> -> memref<128xi32, #tpu.memory_space<hbm>>
        tpu.wait_dma2 semaphore(%arg23 : memref<!tpu.dma_semaphore, #tpu.memory_space<semaphore_mem>>) src(%dma_wait3A_656 : memref<128xi32, #tpu.memory_space<hbm>>) dst(%arg11 : memref<128xi32, #tpu.memory_space<vmem>>)
        %ge3A = arith.constant 1 : i32
        %ge3A_657 = arith.cmpi sge, %add3A_525, %ge3A : i32
        %convert_element_type3A_658 = arith.extui %ge3A_657 : i1 to i32
        %cond3A_659 = arith.constant 0 : i32
        %cond3A_660 = arith.cmpi ne, %convert_element_type3A_658, %cond3A_659 : i32
        scf.if %cond3A_660 {
          %dma_wait3A_669 = arith.constant 0 : i32
          %dma_wait3A_670 = arith.constant 0 : i32
          %dma_wait3A_671 = tpu.memref_slice %arg21[%dma_wait3A_669, %dma_wait3A_670] : memref<10240x128xf32, #tpu.memory_space<vmem_shared>> -> memref<10240x128xf32, #tpu.memory_space<vmem_shared>>
          tpu.wait_indirect_dma semaphore(%arg29 : memref<!tpu.dma_semaphore, #tpu.memory_space<semaphore_mem>>) src(%arg17 : memref<128x128xf32, #tpu.memory_space<vmem>>) dst(%dma_wait3A_671 : memref<10240x128xf32, #tpu.memory_space<vmem_shared>>)
        } else {
        }
        %lt3A_661 = arith.constant 154 : i32
        %lt3A_662 = arith.cmpi slt, %add3A_525, %lt3A_661 : i32
        %convert_element_type3A_663 = arith.extui %lt3A_662 : i1 to i32
        %cond3A_664 = arith.constant 0 : i32
        %cond3A_665 = arith.cmpi ne, %convert_element_type3A_663, %cond3A_664 : i32
        scf.if %cond3A_665 {
          %add3A_669 = arith.constant 2 : i32
          %add3A_670 = arith.addi %add3A_525, %add3A_669 : i32
          %eq3A_671 = arith.constant 0 : i32
          %eq3A_672 = arith.cmpi eq, %arg0, %eq3A_671 : i32
          %convert_element_type3A_673 = arith.extui %eq3A_672 : i1 to i32
          %cond3A_674 = arith.constant 0 : i32
          %cond3A_675 = arith.cmpi ne, %convert_element_type3A_673, %cond3A_674 : i32
          scf.if %cond3A_675 {
            %mul3A_681 = arith.constant 128 : i32
            %mul3A_682 = arith.muli %add3A_670, %mul3A_681 : i32
            %dma_start3A_683 = arith.constant 0 : i32
            %dma_start3A_684 = tpu.memref_slice %arg3[%dma_start3A_683, %arg1, %mul3A_682] : memref<2x16x20000xi32, #tpu.memory_space<hbm>> -> memref<1x1x128xi32, #tpu.memory_space<hbm>>
            %dma_start3A_685 = tpu.memref_squeeze %dma_start3A_684 : memref<1x1x128xi32, #tpu.memory_space<hbm>> -> memref<128xi32, #tpu.memory_space<hbm>>
            %dma_start3A_686 = tpu.memref_slice %arg3[%dma_start3A_683, %arg1, %mul3A_682] : memref<2x16x20000xi32, #tpu.memory_space<hbm>> -> memref<1x1x128xi32, #tpu.memory_space<hbm>>
            %dma_start3A_687 = tpu.memref_squeeze %dma_start3A_686 : memref<1x1x128xi32, #tpu.memory_space<hbm>> -> memref<128xi32, #tpu.memory_space<hbm>>
            tpu.enqueue_dma source(%dma_start3A_687 : memref<128xi32, #tpu.memory_space<hbm>>) target(%arg8 : memref<128xi32, #tpu.memory_space<vmem>>) target_semaphore(%arg24 : memref<!tpu.dma_semaphore, #tpu.memory_space<semaphore_mem>>)
            %mul3A_688 = arith.constant 128 : i32
            %mul3A_689 = arith.muli %add3A_670, %mul3A_688 : i32
            %dma_start3A_690 = arith.constant 1 : i32
            %dma_start3A_691 = tpu.memref_slice %arg3[%dma_start3A_690, %arg1, %mul3A_689] : memref<2x16x20000xi32, #tpu.memory_space<hbm>> -> memref<1x1x128xi32, #tpu.memory_space<hbm>>
            %dma_start3A_692 = tpu.memref_squeeze %dma_start3A_691 : memref<1x1x128xi32, #tpu.memory_space<hbm>> -> memref<128xi32, #tpu.memory_space<hbm>>
            %dma_start3A_693 = tpu.memref_slice %arg3[%dma_start3A_690, %arg1, %mul3A_689] : memref<2x16x20000xi32, #tpu.memory_space<hbm>> -> memref<1x1x128xi32, #tpu.memory_space<hbm>>
            %dma_start3A_694 = tpu.memref_squeeze %dma_start3A_693 : memref<1x1x128xi32, #tpu.memory_space<hbm>> -> memref<128xi32, #tpu.memory_space<hbm>>
            tpu.enqueue_dma source(%dma_start3A_694 : memref<128xi32, #tpu.memory_space<hbm>>) target(%arg12 : memref<128xi32, #tpu.memory_space<vmem>>) target_semaphore(%arg24 : memref<!tpu.dma_semaphore, #tpu.memory_space<semaphore_mem>>)
          } else {
          }
          %eq3A_676 = arith.constant 1 : i32
          %eq3A_677 = arith.cmpi eq, %arg0, %eq3A_676 : i32
          %convert_element_type3A_678 = arith.extui %eq3A_677 : i1 to i32
          %cond3A_679 = arith.constant 0 : i32
          %cond3A_680 = arith.cmpi ne, %convert_element_type3A_678, %cond3A_679 : i32
          scf.if %cond3A_680 {
            %mul3A_681 = arith.constant 128 : i32
            %mul3A_682 = arith.muli %add3A_670, %mul3A_681 : i32
            %dma_start3A_683 = arith.constant 0 : i32
            %dma_start3A_684 = tpu.memref_slice %arg4[%dma_start3A_683, %arg1, %mul3A_682] : memref<2x16x20000xi32, #tpu.memory_space<hbm>> -> memref<1x1x128xi32, #tpu.memory_space<hbm>>
            %dma_start3A_685 = tpu.memref_squeeze %dma_start3A_684 : memref<1x1x128xi32, #tpu.memory_space<hbm>> -> memref<128xi32, #tpu.memory_space<hbm>>
            %dma_start3A_686 = tpu.memref_slice %arg4[%dma_start3A_683, %arg1, %mul3A_682] : memref<2x16x20000xi32, #tpu.memory_space<hbm>> -> memref<1x1x128xi32, #tpu.memory_space<hbm>>
            %dma_start3A_687 = tpu.memref_squeeze %dma_start3A_686 : memref<1x1x128xi32, #tpu.memory_space<hbm>> -> memref<128xi32, #tpu.memory_space<hbm>>
            tpu.enqueue_dma source(%dma_start3A_687 : memref<128xi32, #tpu.memory_space<hbm>>) target(%arg8 : memref<128xi32, #tpu.memory_space<vmem>>) target_semaphore(%arg24 : memref<!tpu.dma_semaphore, #tpu.memory_space<semaphore_mem>>)
            %mul3A_688 = arith.constant 128 : i32
            %mul3A_689 = arith.muli %add3A_670, %mul3A_688 : i32
            %dma_start3A_690 = arith.constant 1 : i32
            %dma_start3A_691 = tpu.memref_slice %arg4[%dma_start3A_690, %arg1, %mul3A_689] : memref<2x16x20000xi32, #tpu.memory_space<hbm>> -> memref<1x1x128xi32, #tpu.memory_space<hbm>>
            %dma_start3A_692 = tpu.memref_squeeze %dma_start3A_691 : memref<1x1x128xi32, #tpu.memory_space<hbm>> -> memref<128xi32, #tpu.memory_space<hbm>>
            %dma_start3A_693 = tpu.memref_slice %arg4[%dma_start3A_690, %arg1, %mul3A_689] : memref<2x16x20000xi32, #tpu.memory_space<hbm>> -> memref<1x1x128xi32, #tpu.memory_space<hbm>>
            %dma_start3A_694 = tpu.memref_squeeze %dma_start3A_693 : memref<1x1x128xi32, #tpu.memory_space<hbm>> -> memref<128xi32, #tpu.memory_space<hbm>>
            tpu.enqueue_dma source(%dma_start3A_694 : memref<128xi32, #tpu.memory_space<hbm>>) target(%arg12 : memref<128xi32, #tpu.memory_space<vmem>>) target_semaphore(%arg24 : memref<!tpu.dma_semaphore, #tpu.memory_space<semaphore_mem>>)
          } else {
          }
        } else {
        }
        %dma_start3A_666 = arith.constant 0 : i32
        %dma_start3A_667 = arith.constant 0 : i32
        %dma_start3A_668 = tpu.memref_slice %arg2[%dma_start3A_666, %dma_start3A_667] : memref<10000x128xf32, #tpu.memory_space<hbm>> -> memref<10000x128xf32, #tpu.memory_space<hbm>>
        tpu.enqueue_indirect_dma source(%dma_start3A_668 : memref<10000x128xf32, #tpu.memory_space<hbm>>) target(%arg17 : memref<128x128xf32, #tpu.memory_space<vmem>>) offsets(%arg7 : memref<128xi32, #tpu.memory_space<vmem>>) semaphore(%arg27 : memref<!tpu.dma_semaphore, #tpu.memory_space<semaphore_mem>>)
      } else {
      }
      %dma_wait3A_531 = arith.constant 0 : i32
      %dma_wait3A_532 = arith.constant 0 : i32
      %dma_wait3A_533 = tpu.memref_slice %arg2[%dma_wait3A_531, %dma_wait3A_532] : memref<10000x128xf32, #tpu.memory_space<hbm>> -> memref<10000x128xf32, #tpu.memory_space<hbm>>
      tpu.wait_indirect_dma semaphore(%arg28 : memref<!tpu.dma_semaphore, #tpu.memory_space<semaphore_mem>>) src(%dma_wait3A_533 : memref<10000x128xf32, #tpu.memory_space<hbm>>) dst(%arg18 : memref<128x128xf32, #tpu.memory_space<vmem>>)
      %dma_start3A_534 = arith.constant 0 : i32
      %dma_start3A_535 = arith.constant 0 : i32
      %dma_start3A_536 = tpu.memref_slice %arg21[%dma_start3A_534, %dma_start3A_535] : memref<10240x128xf32, #tpu.memory_space<vmem_shared>> -> memref<10240x128xf32, #tpu.memory_space<vmem_shared>>
      tpu.enqueue_indirect_dma source(%arg18 : memref<128x128xf32, #tpu.memory_space<vmem>>) target(%dma_start3A_536 : memref<10240x128xf32, #tpu.memory_space<vmem_shared>>) offsets(%arg14 : memref<128xi32, #tpu.memory_space<vmem>>) semaphore(%arg30 : memref<!tpu.dma_semaphore, #tpu.memory_space<semaphore_mem>>) {add = true}
      %get3A_537 = arith.constant 0 : index
      %get3A_538 = tpu.vector_load %arg14[%get3A_537] {strides = array<i32>} : memref<128xi32, #tpu.memory_space<vmem>>, vector<16xi32>,
      %broadcast_in_dim3A_539 = arith.constant true
      %broadcast_in_dim3A_540 = vector.broadcast %broadcast_in_dim3A_539 : i1 to vector<16xi1>
      %unique3A_541, %unique3A_542 = tpu.scan_count mask(%broadcast_in_dim3A_540 : vector<16xi1>) value(%get3A_538 : vector<16xi32>) : vector<16xi1>, vector<16xi32>
      %shift_right_logical3A_543 = arith.constant 7 : i32
      %shift_right_logical3A_544 = vector.broadcast %shift_right_logical3A_543 : i32 to vector<16xi32>
      %shift_right_logical3A_545 = arith.shrui %get3A_538, %shift_right_logical3A_544 : vector<16xi32>
      %and3A_546 = arith.constant 127 : i32
      %and3A_547 = vector.broadcast %and3A_546 : i32 to vector<16xi32>
      %and3A_548 = arith.andi %get3A_538, %and3A_547 : vector<16xi32>
      %convert_element_type3A_549 = arith.sitofp %unique3A_542 : vector<16xi32> to vector<16xf32>
      tpu.vector_store_idx %arg19[%shift_right_logical3A_545, %and3A_548], %convert_element_type3A_549 masked %unique3A_541 {add = true} : memref<80x128xf32, #tpu.memory_space<vmem>>[vector<16xi32>, vector<16xi32>], vector<16xf32>, vector<16xi1>
      %get3A_550 = arith.constant 16 : index
      %get3A_551 = tpu.vector_load %arg14[%get3A_550] {strides = array<i32>} : memref<128xi32, #tpu.memory_space<vmem>>, vector<16xi32>,
      %broadcast_in_dim3A_552 = arith.constant true
      %broadcast_in_dim3A_553 = vector.broadcast %broadcast_in_dim3A_552 : i1 to vector<16xi1>
      %unique3A_554, %unique3A_555 = tpu.scan_count mask(%broadcast_in_dim3A_553 : vector<16xi1>) value(%get3A_551 : vector<16xi32>) : vector<16xi1>, vector<16xi32>
      %shift_right_logical3A_556 = arith.constant 7 : i32
      %shift_right_logical3A_557 = vector.broadcast %shift_right_logical3A_556 : i32 to vector<16xi32>
      %shift_right_logical3A_558 = arith.shrui %get3A_551, %shift_right_logical3A_557 : vector<16xi32>
      %and3A_559 = arith.constant 127 : i32
      %and3A_560 = vector.broadcast %and3A_559 : i32 to vector<16xi32>
      %and3A_561 = arith.andi %get3A_551, %and3A_560 : vector<16xi32>
      %convert_element_type3A_562 = arith.sitofp %unique3A_555 : vector<16xi32> to vector<16xf32>
      tpu.vector_store_idx %arg19[%shift_right_logical3A_558, %and3A_561], %convert_element_type3A_562 masked %unique3A_554 {add = true} : memref<80x128xf32, #tpu.memory_space<vmem>>[vector<16xi32>, vector<16xi32>], vector<16xf32>, vector<16xi1>
      %get3A_563 = arith.constant 32 : index
      %get3A_564 = tpu.vector_load %arg14[%get3A_563] {strides = array<i32>} : memref<128xi32, #tpu.memory_space<vmem>>, vector<16xi32>,
      %broadcast_in_dim3A_565 = arith.constant true
      %broadcast_in_dim3A_566 = vector.broadcast %broadcast_in_dim3A_565 : i1 to vector<16xi1>
      %unique3A_567, %unique3A_568 = tpu.scan_count mask(%broadcast_in_dim3A_566 : vector<16xi1>) value(%get3A_564 : vector<16xi32>) : vector<16xi1>, vector<16xi32>
      %shift_right_logical3A_569 = arith.constant 7 : i32
      %shift_right_logical3A_570 = vector.broadcast %shift_right_logical3A_569 : i32 to vector<16xi32>
      %shift_right_logical3A_571 = arith.shrui %get3A_564, %shift_right_logical3A_570 : vector<16xi32>
      %and3A_572 = arith.constant 127 : i32
      %and3A_573 = vector.broadcast %and3A_572 : i32 to vector<16xi32>
      %and3A_574 = arith.andi %get3A_564, %and3A_573 : vector<16xi32>
      %convert_element_type3A_575 = arith.sitofp %unique3A_568 : vector<16xi32> to vector<16xf32>
      tpu.vector_store_idx %arg19[%shift_right_logical3A_571, %and3A_574], %convert_element_type3A_575 masked %unique3A_567 {add = true} : memref<80x128xf32, #tpu.memory_space<vmem>>[vector<16xi32>, vector<16xi32>], vector<16xf32>, vector<16xi1>
      %get3A_576 = arith.constant 48 : index
      %get3A_577 = tpu.vector_load %arg14[%get3A_576] {strides = array<i32>} : memref<128xi32, #tpu.memory_space<vmem>>, vector<16xi32>,
      %broadcast_in_dim3A_578 = arith.constant true
      %broadcast_in_dim3A_579 = vector.broadcast %broadcast_in_dim3A_578 : i1 to vector<16xi1>
      %unique3A_580, %unique3A_581 = tpu.scan_count mask(%broadcast_in_dim3A_579 : vector<16xi1>) value(%get3A_577 : vector<16xi32>) : vector<16xi1>, vector<16xi32>
      %shift_right_logical3A_582 = arith.constant 7 : i32
      %shift_right_logical3A_583 = vector.broadcast %shift_right_logical3A_582 : i32 to vector<16xi32>
      %shift_right_logical3A_584 = arith.shrui %get3A_577, %shift_right_logical3A_583 : vector<16xi32>
      %and3A_585 = arith.constant 127 : i32
      %and3A_586 = vector.broadcast %and3A_585 : i32 to vector<16xi32>
      %and3A_587 = arith.andi %get3A_577, %and3A_586 : vector<16xi32>
      %convert_element_type3A_588 = arith.sitofp %unique3A_581 : vector<16xi32> to vector<16xf32>
      tpu.vector_store_idx %arg19[%shift_right_logical3A_584, %and3A_587], %convert_element_type3A_588 masked %unique3A_580 {add = true} : memref<80x128xf32, #tpu.memory_space<vmem>>[vector<16xi32>, vector<16xi32>], vector<16xf32>, vector<16xi1>
      %get3A_589 = arith.constant 64 : index
      %get3A_590 = tpu.vector_load %arg14[%get3A_589] {strides = array<i32>} : memref<128xi32, #tpu.memory_space<vmem>>, vector<16xi32>,
      %broadcast_in_dim3A_591 = arith.constant true
      %broadcast_in_dim3A_592 = vector.broadcast %broadcast_in_dim3A_591 : i1 to vector<16xi1>
      %unique3A_593, %unique3A_594 = tpu.scan_count mask(%broadcast_in_dim3A_592 : vector<16xi1>) value(%get3A_590 : vector<16xi32>) : vector<16xi1>, vector<16xi32>
      %shift_right_logical3A_595 = arith.constant 7 : i32
      %shift_right_logical3A_596 = vector.broadcast %shift_right_logical3A_595 : i32 to vector<16xi32>
      %shift_right_logical3A_597 = arith.shrui %get3A_590, %shift_right_logical3A_596 : vector<16xi32>
      %and3A_598 = arith.constant 127 : i32
      %and3A_599 = vector.broadcast %and3A_598 : i32 to vector<16xi32>
      %and3A_600 = arith.andi %get3A_590, %and3A_599 : vector<16xi32>
      %convert_element_type3A_601 = arith.sitofp %unique3A_594 : vector<16xi32> to vector<16xf32>
      tpu.vector_store_idx %arg19[%shift_right_logical3A_597, %and3A_600], %convert_element_type3A_601 masked %unique3A_593 {add = true} : memref<80x128xf32, #tpu.memory_space<vmem>>[vector<16xi32>, vector<16xi32>], vector<16xf32>, vector<16xi1>
      %get3A_602 = arith.constant 80 : index
      %get3A_603 = tpu.vector_load %arg14[%get3A_602] {strides = array<i32>} : memref<128xi32, #tpu.memory_space<vmem>>, vector<16xi32>,
      %broadcast_in_dim3A_604 = arith.constant true
      %broadcast_in_dim3A_605 = vector.broadcast %broadcast_in_dim3A_604 : i1 to vector<16xi1>
      %unique3A_606, %unique3A_607 = tpu.scan_count mask(%broadcast_in_dim3A_605 : vector<16xi1>) value(%get3A_603 : vector<16xi32>) : vector<16xi1>, vector<16xi32>
      %shift_right_logical3A_608 = arith.constant 7 : i32
      %shift_right_logical3A_609 = vector.broadcast %shift_right_logical3A_608 : i32 to vector<16xi32>
      %shift_right_logical3A_610 = arith.shrui %get3A_603, %shift_right_logical3A_609 : vector<16xi32>
      %and3A_611 = arith.constant 127 : i32
      %and3A_612 = vector.broadcast %and3A_611 : i32 to vector<16xi32>
      %and3A_613 = arith.andi %get3A_603, %and3A_612 : vector<16xi32>
      %convert_element_type3A_614 = arith.sitofp %unique3A_607 : vector<16xi32> to vector<16xf32>
      tpu.vector_store_idx %arg19[%shift_right_logical3A_610, %and3A_613], %convert_element_type3A_614 masked %unique3A_606 {add = true} : memref<80x128xf32, #tpu.memory_space<vmem>>[vector<16xi32>, vector<16xi32>], vector<16xf32>, vector<16xi1>
      %get3A_615 = arith.constant 96 : index
      %get3A_616 = tpu.vector_load %arg14[%get3A_615] {strides = array<i32>} : memref<128xi32, #tpu.memory_space<vmem>>, vector<16xi32>,
      %broadcast_in_dim3A_617 = arith.constant true
      %broadcast_in_dim3A_618 = vector.broadcast %broadcast_in_dim3A_617 : i1 to vector<16xi1>
      %unique3A_619, %unique3A_620 = tpu.scan_count mask(%broadcast_in_dim3A_618 : vector<16xi1>) value(%get3A_616 : vector<16xi32>) : vector<16xi1>, vector<16xi32>
      %shift_right_logical3A_621 = arith.constant 7 : i32
      %shift_right_logical3A_622 = vector.broadcast %shift_right_logical3A_621 : i32 to vector<16xi32>
      %shift_right_logical3A_623 = arith.shrui %get3A_616, %shift_right_logical3A_622 : vector<16xi32>
      %and3A_624 = arith.constant 127 : i32
      %and3A_625 = vector.broadcast %and3A_624 : i32 to vector<16xi32>
      %and3A_626 = arith.andi %get3A_616, %and3A_625 : vector<16xi32>
      %convert_element_type3A_627 = arith.sitofp %unique3A_620 : vector<16xi32> to vector<16xf32>
      tpu.vector_store_idx %arg19[%shift_right_logical3A_623, %and3A_626], %convert_element_type3A_627 masked %unique3A_619 {add = true} : memref<80x128xf32, #tpu.memory_space<vmem>>[vector<16xi32>, vector<16xi32>], vector<16xf32>, vector<16xi1>
      %get3A_628 = arith.constant 112 : index
      %get3A_629 = tpu.vector_load %arg14[%get3A_628] {strides = array<i32>} : memref<128xi32, #tpu.memory_space<vmem>>, vector<16xi32>,
      %broadcast_in_dim3A_630 = arith.constant true
      %broadcast_in_dim3A_631 = vector.broadcast %broadcast_in_dim3A_630 : i1 to vector<16xi1>
      %unique3A_632, %unique3A_633 = tpu.scan_count mask(%broadcast_in_dim3A_631 : vector<16xi1>) value(%get3A_629 : vector<16xi32>) : vector<16xi1>, vector<16xi32>
      %shift_right_logical3A_634 = arith.constant 7 : i32
      %shift_right_logical3A_635 = vector.broadcast %shift_right_logical3A_634 : i32 to vector<16xi32>
      %shift_right_logical3A_636 = arith.shrui %get3A_629, %shift_right_logical3A_635 : vector<16xi32>
      %and3A_637 = arith.constant 127 : i32
      %and3A_638 = vector.broadcast %and3A_637 : i32 to vector<16xi32>
      %and3A_639 = arith.andi %get3A_629, %and3A_638 : vector<16xi32>
      %convert_element_type3A_640 = arith.sitofp %unique3A_633 : vector<16xi32> to vector<16xf32>
      tpu.vector_store_idx %arg19[%shift_right_logical3A_636, %and3A_639], %convert_element_type3A_640 masked %unique3A_632 {add = true} : memref<80x128xf32, #tpu.memory_space<vmem>>[vector<16xi32>, vector<16xi32>], vector<16xf32>, vector<16xi1>
    }
    %scan3A_92 = arith.constant 39 : i32
    %dma_wait3A_93 = arith.constant 0 : i32
    %dma_wait3A_94 = arith.constant 0 : i32
    %dma_wait3A_95 = tpu.memref_slice %arg21[%dma_wait3A_93, %dma_wait3A_94] : memref<10240x128xf32, #tpu.memory_space<vmem_shared>> -> memref<10240x128xf32, #tpu.memory_space<vmem_shared>>
    tpu.wait_indirect_dma semaphore(%arg29 : memref<!tpu.dma_semaphore, #tpu.memory_space<semaphore_mem>>) src(%arg17 : memref<128x128xf32, #tpu.memory_space<vmem>>) dst(%dma_wait3A_95 : memref<10240x128xf32, #tpu.memory_space<vmem_shared>>)
    %dma_wait3A_96 = arith.constant 0 : i32
    %dma_wait3A_97 = arith.constant 0 : i32
    %dma_wait3A_98 = tpu.memref_slice %arg21[%dma_wait3A_96, %dma_wait3A_97] : memref<10240x128xf32, #tpu.memory_space<vmem_shared>> -> memref<10240x128xf32, #tpu.memory_space<vmem_shared>>
    tpu.wait_indirect_dma semaphore(%arg30 : memref<!tpu.dma_semaphore, #tpu.memory_space<semaphore_mem>>) src(%arg18 : memref<128x128xf32, #tpu.memory_space<vmem>>) dst(%dma_wait3A_98 : memref<10240x128xf32, #tpu.memory_space<vmem_shared>>)
    %eq3A_99 = arith.constant 0 : i32
    %eq3A_100 = arith.cmpi eq, %arg0, %eq3A_99 : i32
    %convert_element_type3A_101 = arith.extui %eq3A_100 : i1 to i32
    %cond3A_102 = arith.constant 0 : i32
    %cond3A_103 = arith.cmpi ne, %convert_element_type3A_101, %cond3A_102 : i32
    scf.if %cond3A_103 {
      %run_scoped3A = arith.constant 0 : i32
      "tpu.region"() ({
        %run_scoped3A_165 = tpu.sem_alloc : memref<!tpu.dma_semaphore, #tpu.memory_space<semaphore_mem>>
        %dma_start3A_166 = arith.constant 19968 : i32
        %dma_start3A_167 = tpu.memref_slice %arg3[%run_scoped3A, %arg1, %dma_start3A_166] : memref<2x16x20000xi32, #tpu.memory_space<hbm>> -> memref<1x1x32xi32, #tpu.memory_space<hbm>>
        %dma_start3A_168 = tpu.memref_squeeze %dma_start3A_167 : memref<1x1x32xi32, #tpu.memory_space<hbm>> -> memref<32xi32, #tpu.memory_space<hbm>>
        %dma_start3A_169 = arith.constant 19968 : i32
        %dma_start3A_170 = tpu.memref_slice %arg3[%run_scoped3A, %arg1, %dma_start3A_169] : memref<2x16x20000xi32, #tpu.memory_space<hbm>> -> memref<1x1x32xi32, #tpu.memory_space<hbm>>
        %dma_start3A_171 = tpu.memref_squeeze %dma_start3A_170 : memref<1x1x32xi32, #tpu.memory_space<hbm>> -> memref<32xi32, #tpu.memory_space<hbm>>
        tpu.enqueue_dma source(%dma_start3A_171 : memref<32xi32, #tpu.memory_space<hbm>>) target(%arg15 : memref<32xi32, #tpu.memory_space<vmem>>) target_semaphore(%run_scoped3A_165 : memref<!tpu.dma_semaphore, #tpu.memory_space<semaphore_mem>>)
        %dma_wait3A_172 = arith.constant 19968 : i32
        %dma_wait3A_173 = tpu.memref_slice %arg3[%run_scoped3A, %arg1, %dma_wait3A_172] : memref<2x16x20000xi32, #tpu.memory_space<hbm>> -> memref<1x1x32xi32, #tpu.memory_space<hbm>>
        %dma_wait3A_174 = tpu.memref_squeeze %dma_wait3A_173 : memref<1x1x32xi32, #tpu.memory_space<hbm>> -> memref<32xi32, #tpu.memory_space<hbm>>
        %dma_wait3A_175 = arith.constant 19968 : i32
        %dma_wait3A_176 = tpu.memref_slice %arg3[%run_scoped3A, %arg1, %dma_wait3A_175] : memref<2x16x20000xi32, #tpu.memory_space<hbm>> -> memref<1x1x32xi32, #tpu.memory_space<hbm>>
        %dma_wait3A_177 = tpu.memref_squeeze %dma_wait3A_176 : memref<1x1x32xi32, #tpu.memory_space<hbm>> -> memref<32xi32, #tpu.memory_space<hbm>>
        tpu.wait_dma2 semaphore(%run_scoped3A_165 : memref<!tpu.dma_semaphore, #tpu.memory_space<semaphore_mem>>) src(%dma_wait3A_177 : memref<32xi32, #tpu.memory_space<hbm>>) dst(%arg15 : memref<32xi32, #tpu.memory_space<vmem>>)
        tpu.yield
      }) : () -> ()
      %run_scoped3A_164 = arith.constant 1 : i32
      "tpu.region"() ({
        %run_scoped3A_165 = tpu.sem_alloc : memref<!tpu.dma_semaphore, #tpu.memory_space<semaphore_mem>>
        %dma_start3A_166 = arith.constant 19968 : i32
        %dma_start3A_167 = tpu.memref_slice %arg3[%run_scoped3A_164, %arg1, %dma_start3A_166] : memref<2x16x20000xi32, #tpu.memory_space<hbm>> -> memref<1x1x32xi32, #tpu.memory_space<hbm>>
        %dma_start3A_168 = tpu.memref_squeeze %dma_start3A_167 : memref<1x1x32xi32, #tpu.memory_space<hbm>> -> memref<32xi32, #tpu.memory_space<hbm>>
        %dma_start3A_169 = arith.constant 19968 : i32
        %dma_start3A_170 = tpu.memref_slice %arg3[%run_scoped3A_164, %arg1, %dma_start3A_169] : memref<2x16x20000xi32, #tpu.memory_space<hbm>> -> memref<1x1x32xi32, #tpu.memory_space<hbm>>
        %dma_start3A_171 = tpu.memref_squeeze %dma_start3A_170 : memref<1x1x32xi32, #tpu.memory_space<hbm>> -> memref<32xi32, #tpu.memory_space<hbm>>
        tpu.enqueue_dma source(%dma_start3A_171 : memref<32xi32, #tpu.memory_space<hbm>>) target(%arg16 : memref<32xi32, #tpu.memory_space<vmem>>) target_semaphore(%run_scoped3A_165 : memref<!tpu.dma_semaphore, #tpu.memory_space<semaphore_mem>>)
        %dma_wait3A_172 = arith.constant 19968 : i32
        %dma_wait3A_173 = tpu.memref_slice %arg3[%run_scoped3A_164, %arg1, %dma_wait3A_172] : memref<2x16x20000xi32, #tpu.memory_space<hbm>> -> memref<1x1x32xi32, #tpu.memory_space<hbm>>
        %dma_wait3A_174 = tpu.memref_squeeze %dma_wait3A_173 : memref<1x1x32xi32, #tpu.memory_space<hbm>> -> memref<32xi32, #tpu.memory_space<hbm>>
        %dma_wait3A_175 = arith.constant 19968 : i32
        %dma_wait3A_176 = tpu.memref_slice %arg3[%run_scoped3A_164, %arg1, %dma_wait3A_175] : memref<2x16x20000xi32, #tpu.memory_space<hbm>> -> memref<1x1x32xi32, #tpu.memory_space<hbm>>
        %dma_wait3A_177 = tpu.memref_squeeze %dma_wait3A_176 : memref<1x1x32xi32, #tpu.memory_space<hbm>> -> memref<32xi32, #tpu.memory_space<hbm>>
        tpu.wait_dma2 semaphore(%run_scoped3A_165 : memref<!tpu.dma_semaphore, #tpu.memory_space<semaphore_mem>>) src(%dma_wait3A_177 : memref<32xi32, #tpu.memory_space<hbm>>) dst(%arg16 : memref<32xi32, #tpu.memory_space<vmem>>)
        tpu.yield
      }) : () -> ()
    } else {
    }
    %eq3A_104 = arith.constant 1 : i32
    %eq3A_105 = arith.cmpi eq, %arg0, %eq3A_104 : i32
    %convert_element_type3A_106 = arith.extui %eq3A_105 : i1 to i32
    %cond3A_107 = arith.constant 0 : i32
    %cond3A_108 = arith.cmpi ne, %convert_element_type3A_106, %cond3A_107 : i32
    scf.if %cond3A_108 {
      %run_scoped3A = arith.constant 0 : i32
      "tpu.region"() ({
        %run_scoped3A_165 = tpu.sem_alloc : memref<!tpu.dma_semaphore, #tpu.memory_space<semaphore_mem>>
        %dma_start3A_166 = arith.constant 19968 : i32
        %dma_start3A_167 = tpu.memref_slice %arg4[%run_scoped3A, %arg1, %dma_start3A_166] : memref<2x16x20000xi32, #tpu.memory_space<hbm>> -> memref<1x1x32xi32, #tpu.memory_space<hbm>>
        %dma_start3A_168 = tpu.memref_squeeze %dma_start3A_167 : memref<1x1x32xi32, #tpu.memory_space<hbm>> -> memref<32xi32, #tpu.memory_space<hbm>>
        %dma_start3A_169 = arith.constant 19968 : i32
        %dma_start3A_170 = tpu.memref_slice %arg4[%run_scoped3A, %arg1, %dma_start3A_169] : memref<2x16x20000xi32, #tpu.memory_space<hbm>> -> memref<1x1x32xi32, #tpu.memory_space<hbm>>
        %dma_start3A_171 = tpu.memref_squeeze %dma_start3A_170 : memref<1x1x32xi32, #tpu.memory_space<hbm>> -> memref<32xi32, #tpu.memory_space<hbm>>
        tpu.enqueue_dma source(%dma_start3A_171 : memref<32xi32, #tpu.memory_space<hbm>>) target(%arg15 : memref<32xi32, #tpu.memory_space<vmem>>) target_semaphore(%run_scoped3A_165 : memref<!tpu.dma_semaphore, #tpu.memory_space<semaphore_mem>>)
        %dma_wait3A_172 = arith.constant 19968 : i32
        %dma_wait3A_173 = tpu.memref_slice %arg4[%run_scoped3A, %arg1, %dma_wait3A_172] : memref<2x16x20000xi32, #tpu.memory_space<hbm>> -> memref<1x1x32xi32, #tpu.memory_space<hbm>>
        %dma_wait3A_174 = tpu.memref_squeeze %dma_wait3A_173 : memref<1x1x32xi32, #tpu.memory_space<hbm>> -> memref<32xi32, #tpu.memory_space<hbm>>
        %dma_wait3A_175 = arith.constant 19968 : i32
        %dma_wait3A_176 = tpu.memref_slice %arg4[%run_scoped3A, %arg1, %dma_wait3A_175] : memref<2x16x20000xi32, #tpu.memory_space<hbm>> -> memref<1x1x32xi32, #tpu.memory_space<hbm>>
        %dma_wait3A_177 = tpu.memref_squeeze %dma_wait3A_176 : memref<1x1x32xi32, #tpu.memory_space<hbm>> -> memref<32xi32, #tpu.memory_space<hbm>>
        tpu.wait_dma2 semaphore(%run_scoped3A_165 : memref<!tpu.dma_semaphore, #tpu.memory_space<semaphore_mem>>) src(%dma_wait3A_177 : memref<32xi32, #tpu.memory_space<hbm>>) dst(%arg15 : memref<32xi32, #tpu.memory_space<vmem>>)
        tpu.yield
      }) : () -> ()
      %run_scoped3A_164 = arith.constant 1 : i32
      "tpu.region"() ({
        %run_scoped3A_165 = tpu.sem_alloc : memref<!tpu.dma_semaphore, #tpu.memory_space<semaphore_mem>>
        %dma_start3A_166 = arith.constant 19968 : i32
        %dma_start3A_167 = tpu.memref_slice %arg4[%run_scoped3A_164, %arg1, %dma_start3A_166] : memref<2x16x20000xi32, #tpu.memory_space<hbm>> -> memref<1x1x32xi32, #tpu.memory_space<hbm>>
        %dma_start3A_168 = tpu.memref_squeeze %dma_start3A_167 : memref<1x1x32xi32, #tpu.memory_space<hbm>> -> memref<32xi32, #tpu.memory_space<hbm>>
        %dma_start3A_169 = arith.constant 19968 : i32
        %dma_start3A_170 = tpu.memref_slice %arg4[%run_scoped3A_164, %arg1, %dma_start3A_169] : memref<2x16x20000xi32, #tpu.memory_space<hbm>> -> memref<1x1x32xi32, #tpu.memory_space<hbm>>
        %dma_start3A_171 = tpu.memref_squeeze %dma_start3A_170 : memref<1x1x32xi32, #tpu.memory_space<hbm>> -> memref<32xi32, #tpu.memory_space<hbm>>
        tpu.enqueue_dma source(%dma_start3A_171 : memref<32xi32, #tpu.memory_space<hbm>>) target(%arg16 : memref<32xi32, #tpu.memory_space<vmem>>) target_semaphore(%run_scoped3A_165 : memref<!tpu.dma_semaphore, #tpu.memory_space<semaphore_mem>>)
        %dma_wait3A_172 = arith.constant 19968 : i32
        %dma_wait3A_173 = tpu.memref_slice %arg4[%run_scoped3A_164, %arg1, %dma_wait3A_172] : memref<2x16x20000xi32, #tpu.memory_space<hbm>> -> memref<1x1x32xi32, #tpu.memory_space<hbm>>
        %dma_wait3A_174 = tpu.memref_squeeze %dma_wait3A_173 : memref<1x1x32xi32, #tpu.memory_space<hbm>> -> memref<32xi32, #tpu.memory_space<hbm>>
        %dma_wait3A_175 = arith.constant 19968 : i32
        %dma_wait3A_176 = tpu.memref_slice %arg4[%run_scoped3A_164, %arg1, %dma_wait3A_175] : memref<2x16x20000xi32, #tpu.memory_space<hbm>> -> memref<1x1x32xi32, #tpu.memory_space<hbm>>
        %dma_wait3A_177 = tpu.memref_squeeze %dma_wait3A_176 : memref<1x1x32xi32, #tpu.memory_space<hbm>> -> memref<32xi32, #tpu.memory_space<hbm>>
        tpu.wait_dma2 semaphore(%run_scoped3A_165 : memref<!tpu.dma_semaphore, #tpu.memory_space<semaphore_mem>>) src(%dma_wait3A_177 : memref<32xi32, #tpu.memory_space<hbm>>) dst(%arg16 : memref<32xi32, #tpu.memory_space<vmem>>)
        tpu.yield
      }) : () -> ()
    } else {
    }
    %dma_start3A_109 = arith.constant 0 : i32
    %dma_start3A_110 = arith.constant 0 : i32
    %dma_start3A_111 = tpu.memref_slice %arg17[%dma_start3A_109, %dma_start3A_110] : memref<128x128xf32, #tpu.memory_space<vmem>> -> memref<32x128xf32, #tpu.memory_space<vmem>>
    %dma_start3A_112 = arith.constant 0 : i32
    %dma_start3A_113 = arith.constant 0 : i32
    %dma_start3A_114 = tpu.memref_slice %arg2[%dma_start3A_112, %dma_start3A_113] : memref<10000x128xf32, #tpu.memory_space<hbm>> -> memref<10000x128xf32, #tpu.memory_space<hbm>>
    tpu.enqueue_indirect_dma source(%dma_start3A_114 : memref<10000x128xf32, #tpu.memory_space<hbm>>) target(%dma_start3A_111 : memref<32x128xf32, #tpu.memory_space<vmem>>) offsets(%arg15 : memref<32xi32, #tpu.memory_space<vmem>>) semaphore(%arg31 : memref<!tpu.dma_semaphore, #tpu.memory_space<semaphore_mem>>)
    %dma_wait3A_115 = arith.constant 0 : i32
    %dma_wait3A_116 = arith.constant 0 : i32
    %dma_wait3A_117 = tpu.memref_slice %arg17[%dma_wait3A_115, %dma_wait3A_116] : memref<128x128xf32, #tpu.memory_space<vmem>> -> memref<32x128xf32, #tpu.memory_space<vmem>>
    %dma_wait3A_118 = arith.constant 0 : i32
    %dma_wait3A_119 = arith.constant 0 : i32
    %dma_wait3A_120 = tpu.memref_slice %arg2[%dma_wait3A_118, %dma_wait3A_119] : memref<10000x128xf32, #tpu.memory_space<hbm>> -> memref<10000x128xf32, #tpu.memory_space<hbm>>
    tpu.wait_indirect_dma semaphore(%arg31 : memref<!tpu.dma_semaphore, #tpu.memory_space<semaphore_mem>>) src(%dma_wait3A_120 : memref<10000x128xf32, #tpu.memory_space<hbm>>) dst(%dma_wait3A_117 : memref<32x128xf32, #tpu.memory_space<vmem>>)
    %dma_start3A_121 = arith.constant 0 : i32
    %dma_start3A_122 = arith.constant 0 : i32
    %dma_start3A_123 = tpu.memref_slice %arg17[%dma_start3A_121, %dma_start3A_122] : memref<128x128xf32, #tpu.memory_space<vmem>> -> memref<32x128xf32, #tpu.memory_space<vmem>>
    %dma_start3A_124 = arith.constant 0 : i32
    %dma_start3A_125 = arith.constant 0 : i32
    %dma_start3A_126 = tpu.memref_slice %arg21[%dma_start3A_124, %dma_start3A_125] : memref<10240x128xf32, #tpu.memory_space<vmem_shared>> -> memref<10240x128xf32, #tpu.memory_space<vmem_shared>>
    tpu.enqueue_indirect_dma source(%dma_start3A_123 : memref<32x128xf32, #tpu.memory_space<vmem>>) target(%dma_start3A_126 : memref<10240x128xf32, #tpu.memory_space<vmem_shared>>) offsets(%arg16 : memref<32xi32, #tpu.memory_space<vmem>>) semaphore(%arg31 : memref<!tpu.dma_semaphore, #tpu.memory_space<semaphore_mem>>) {add = true}
    %dma_wait3A_127 = arith.constant 0 : i32
    %dma_wait3A_128 = arith.constant 0 : i32
    %dma_wait3A_129 = tpu.memref_slice %arg17[%dma_wait3A_127, %dma_wait3A_128] : memref<128x128xf32, #tpu.memory_space<vmem>> -> memref<32x128xf32, #tpu.memory_space<vmem>>
    %dma_wait3A_130 = arith.constant 0 : i32
    %dma_wait3A_131 = arith.constant 0 : i32
    %dma_wait3A_132 = tpu.memref_slice %arg21[%dma_wait3A_130, %dma_wait3A_131] : memref<10240x128xf32, #tpu.memory_space<vmem_shared>> -> memref<10240x128xf32, #tpu.memory_space<vmem_shared>>
    tpu.wait_indirect_dma semaphore(%arg31 : memref<!tpu.dma_semaphore, #tpu.memory_space<semaphore_mem>>) src(%dma_wait3A_129 : memref<32x128xf32, #tpu.memory_space<vmem>>) dst(%dma_wait3A_132 : memref<10240x128xf32, #tpu.memory_space<vmem_shared>>)
    %get3A = arith.constant 0 : index
    %get3A_133 = tpu.vector_load %arg16[%get3A] {strides = array<i32>} : memref<32xi32, #tpu.memory_space<vmem>>, vector<16xi32>,
    %broadcast_in_dim3A_134 = arith.constant true
    %broadcast_in_dim3A_135 = vector.broadcast %broadcast_in_dim3A_134 : i1 to vector<16xi1>
    %unique3A, %unique3A_136 = tpu.scan_count mask(%broadcast_in_dim3A_135 : vector<16xi1>) value(%get3A_133 : vector<16xi32>) : vector<16xi1>, vector<16xi32>
    %shift_right_logical3A = arith.constant 7 : i32
    %shift_right_logical3A_137 = vector.broadcast %shift_right_logical3A : i32 to vector<16xi32>
    %shift_right_logical3A_138 = arith.shrui %get3A_133, %shift_right_logical3A_137 : vector<16xi32>
    %and3A = arith.constant 127 : i32
    %and3A_139 = vector.broadcast %and3A : i32 to vector<16xi32>
    %and3A_140 = arith.andi %get3A_133, %and3A_139 : vector<16xi32>
    %convert_element_type3A_141 = arith.sitofp %unique3A_136 : vector<16xi32> to vector<16xf32>
    tpu.vector_store_idx %arg19[%shift_right_logical3A_138, %and3A_140], %convert_element_type3A_141 masked %unique3A {add = true} : memref<80x128xf32, #tpu.memory_space<vmem>>[vector<16xi32>, vector<16xi32>], vector<16xf32>, vector<16xi1>
    %get3A_142 = arith.constant 16 : index
    %get3A_143 = tpu.vector_load %arg16[%get3A_142] {strides = array<i32>} : memref<32xi32, #tpu.memory_space<vmem>>, vector<16xi32>,
    %broadcast_in_dim3A_144 = arith.constant true
    %broadcast_in_dim3A_145 = vector.broadcast %broadcast_in_dim3A_144 : i1 to vector<16xi1>
    %unique3A_146, %unique3A_147 = tpu.scan_count mask(%broadcast_in_dim3A_145 : vector<16xi1>) value(%get3A_143 : vector<16xi32>) : vector<16xi1>, vector<16xi32>
    %shift_right_logical3A_148 = arith.constant 7 : i32
    %shift_right_logical3A_149 = vector.broadcast %shift_right_logical3A_148 : i32 to vector<16xi32>
    %shift_right_logical3A_150 = arith.shrui %get3A_143, %shift_right_logical3A_149 : vector<16xi32>
    %and3A_151 = arith.constant 127 : i32
    %and3A_152 = vector.broadcast %and3A_151 : i32 to vector<16xi32>
    %and3A_153 = arith.andi %get3A_143, %and3A_152 : vector<16xi32>
    %convert_element_type3A_154 = arith.sitofp %unique3A_147 : vector<16xi32> to vector<16xf32>
    tpu.vector_store_idx %arg19[%shift_right_logical3A_150, %and3A_153], %convert_element_type3A_154 masked %unique3A_146 {add = true} : memref<80x128xf32, #tpu.memory_space<vmem>>[vector<16xi32>, vector<16xi32>], vector<16xf32>, vector<16xi1>
    "tpu.region"() ({
      %run_scoped3A = tpu.sem_alloc : memref<!tpu.dma_semaphore, #tpu.memory_space<semaphore_mem>>
      %dma_start3A_164 = arith.constant 0 : i32
      %dma_start3A_165 = arith.constant 0 : i32
      %dma_start3A_166 = tpu.memref_slice %arg22[%dma_start3A_164, %dma_start3A_165] : memref<80x128xf32, #tpu.memory_space<vmem_shared>> -> memref<80x128xf32, #tpu.memory_space<vmem_shared>>
      tpu.enqueue_indirect_dma source(%arg19 : memref<80x128xf32, #tpu.memory_space<vmem>>) target(%dma_start3A_166 : memref<80x128xf32, #tpu.memory_space<vmem_shared>>) offsets(%arg20 : memref<80xi32, #tpu.memory_space<vmem>>) semaphore(%run_scoped3A : memref<!tpu.dma_semaphore, #tpu.memory_space<semaphore_mem>>) {add = true}
      %dma_wait3A_167 = arith.constant 0 : i32
      %dma_wait3A_168 = arith.constant 0 : i32
      %dma_wait3A_169 = tpu.memref_slice %arg22[%dma_wait3A_167, %dma_wait3A_168] : memref<80x128xf32, #tpu.memory_space<vmem_shared>> -> memref<80x128xf32, #tpu.memory_space<vmem_shared>>
      tpu.wait_indirect_dma semaphore(%run_scoped3A : memref<!tpu.dma_semaphore, #tpu.memory_space<semaphore_mem>>) src(%arg19 : memref<80x128xf32, #tpu.memory_space<vmem>>) dst(%dma_wait3A_169 : memref<80x128xf32, #tpu.memory_space<vmem_shared>>)
      tpu.yield
    }) : () -> ()
    %barrier3A_155 = arith.constant 0 : index
    tpu.barrier barrier_id(%barrier3A_155)
    %mul3A = arith.constant 640 : i32
    %mul3A_156 = arith.muli %arg1, %mul3A : i32
    %mul3A_157 = arith.constant 640 : i32
    %mul3A_158 = arith.muli %arg1, %mul3A_157 : i32
    "tpu.region"() ({
      %run_scoped3A = tpu.sem_alloc : memref<!tpu.dma_semaphore, #tpu.memory_space<semaphore_mem>>
      %dma_start3A_164 = arith.constant 0 : i32
      %dma_start3A_165 = tpu.memref_slice %arg5[%arg0, %mul3A_158, %dma_start3A_164] : memref<2x10240x128xf32, #tpu.memory_space<hbm>> -> memref<1x640x128xf32, #tpu.memory_space<hbm>>
      %dma_start3A_166 = tpu.memref_squeeze %dma_start3A_165 : memref<1x640x128xf32, #tpu.memory_space<hbm>> -> memref<640x128xf32, #tpu.memory_space<hbm>>
      %dma_start3A_167 = arith.constant 0 : i32
      %dma_start3A_168 = tpu.memref_slice %arg21[%mul3A_156, %dma_start3A_167] : memref<10240x128xf32, #tpu.memory_space<vmem_shared>> -> memref<640x128xf32, #tpu.memory_space<vmem_shared>>
      tpu.enqueue_dma source(%dma_start3A_168 : memref<640x128xf32, #tpu.memory_space<vmem_shared>>) target(%dma_start3A_166 : memref<640x128xf32, #tpu.memory_space<hbm>>) target_semaphore(%run_scoped3A : memref<!tpu.dma_semaphore, #tpu.memory_space<semaphore_mem>>)
      %dma_wait3A_169 = arith.constant 0 : i32
      %dma_wait3A_170 = tpu.memref_slice %arg5[%arg0, %mul3A_158, %dma_wait3A_169] : memref<2x10240x128xf32, #tpu.memory_space<hbm>> -> memref<1x640x128xf32, #tpu.memory_space<hbm>>
      %dma_wait3A_171 = tpu.memref_squeeze %dma_wait3A_170 : memref<1x640x128xf32, #tpu.memory_space<hbm>> -> memref<640x128xf32, #tpu.memory_space<hbm>>
      %dma_wait3A_172 = arith.constant 0 : i32
      %dma_wait3A_173 = tpu.memref_slice %arg21[%mul3A_156, %dma_wait3A_172] : memref<10240x128xf32, #tpu.memory_space<vmem_shared>> -> memref<640x128xf32, #tpu.memory_space<vmem_shared>>
      tpu.wait_dma2 semaphore(%run_scoped3A : memref<!tpu.dma_semaphore, #tpu.memory_space<semaphore_mem>>) src(%dma_wait3A_173 : memref<640x128xf32, #tpu.memory_space<vmem_shared>>) dst(%dma_wait3A_171 : memref<640x128xf32, #tpu.memory_space<hbm>>)
      tpu.yield
    }) : () -> ()
    %lt3A_159 = arith.constant 10 : i32
    %lt3A_160 = arith.cmpi slt, %arg1, %lt3A_159 : i32
    %convert_element_type3A_161 = arith.extui %lt3A_160 : i1 to i32
    %cond3A_162 = arith.constant 0 : i32
    %cond3A_163 = arith.cmpi ne, %convert_element_type3A_161, %cond3A_162 : i32
    scf.if %cond3A_163 {
      %mul3A_164 = arith.constant 8 : i32
      %mul3A_165 = arith.muli %arg1, %mul3A_164 : i32
      %mul3A_166 = arith.constant 8 : i32
      %mul3A_167 = arith.muli %arg1, %mul3A_166 : i32
      "tpu.region"() ({
        %run_scoped3A = tpu.sem_alloc : memref<!tpu.dma_semaphore, #tpu.memory_space<semaphore_mem>>
        %dma_start3A_168 = arith.constant 0 : i32
        %dma_start3A_169 = tpu.memref_slice %arg6[%arg0, %mul3A_167, %dma_start3A_168] : memref<2x80x128xf32, #tpu.memory_space<hbm>> -> memref<1x8x128xf32, #tpu.memory_space<hbm>>
        %dma_start3A_170 = tpu.memref_squeeze %dma_start3A_169 : memref<1x8x128xf32, #tpu.memory_space<hbm>> -> memref<8x128xf32, #tpu.memory_space<hbm>>
        %dma_start3A_171 = arith.constant 0 : i32
        %dma_start3A_172 = tpu.memref_slice %arg22[%mul3A_165, %dma_start3A_171] : memref<80x128xf32, #tpu.memory_space<vmem_shared>> -> memref<8x128xf32, #tpu.memory_space<vmem_shared>>
        tpu.enqueue_dma source(%dma_start3A_172 : memref<8x128xf32, #tpu.memory_space<vmem_shared>>) target(%dma_start3A_170 : memref<8x128xf32, #tpu.memory_space<hbm>>) target_semaphore(%run_scoped3A : memref<!tpu.dma_semaphore, #tpu.memory_space<semaphore_mem>>)
        %dma_wait3A_173 = arith.constant 0 : i32
        %dma_wait3A_174 = tpu.memref_slice %arg6[%arg0, %mul3A_167, %dma_wait3A_173] : memref<2x80x128xf32, #tpu.memory_space<hbm>> -> memref<1x8x128xf32, #tpu.memory_space<hbm>>
        %dma_wait3A_175 = tpu.memref_squeeze %dma_wait3A_174 : memref<1x8x128xf32, #tpu.memory_space<hbm>> -> memref<8x128xf32, #tpu.memory_space<hbm>>
        %dma_wait3A_176 = arith.constant 0 : i32
        %dma_wait3A_177 = tpu.memref_slice %arg22[%mul3A_165, %dma_wait3A_176] : memref<80x128xf32, #tpu.memory_space<vmem_shared>> -> memref<8x128xf32, #tpu.memory_space<vmem_shared>>
        tpu.wait_dma2 semaphore(%run_scoped3A : memref<!tpu.dma_semaphore, #tpu.memory_space<semaphore_mem>>) src(%dma_wait3A_177 : memref<8x128xf32, #tpu.memory_space<vmem_shared>>) dst(%dma_wait3A_175 : memref<8x128xf32, #tpu.memory_space<hbm>>)
        tpu.yield
      }) : () -> ()
    } else {
    }
    return
  }
}

module attributes {stable_mosaic.version = 14 : i64} {
  func.func @_tc_body(%arg0: i32, %arg1: memref<1x1000x128xf32, #tpu.memory_space<vmem>>, %arg2: memref<1x1000x128xf32, #tpu.memory_space<vmem>>, %arg3: memref<1x1000x1xf32, #tpu.memory_space<vmem>>, %arg4: memref<1x1000x1xf32, #tpu.memory_space<vmem>>, %arg5: memref<128x128xf32, #tpu.memory_space<vmem>>, %arg6: memref<128x128xf32, #tpu.memory_space<vmem>>, %arg7: memref<1000x128xf32, #tpu.memory_space<vmem>>) attributes {dimension_semantics = [#tpu.dimension_semantics<arbitrary>], iteration_bounds = array<i64: 10>, scalar_prefetch = 0 : i64, scratch_operands = 0 : i64, tpu.core_type = #tpu.core_type<tc>, window_params = [{transform_indices = @transform_0, window_bounds = array<i64: 1, 1000, 128>}, {transform_indices = @transform_1, window_bounds = array<i64: 1, 1000, 128>}, {transform_indices = @transform_2, window_bounds = array<i64: 1, 1000, 1>}, {transform_indices = @transform_3, window_bounds = array<i64: 1, 1000, 1>}, {pipeline_mode = #tpu.pipeline_mode<synchronous>, transform_indices = @transform_4, window_bounds = array<i64: 128, 128>}, {pipeline_mode = #tpu.pipeline_mode<synchronous>, transform_indices = @transform_5, window_bounds = array<i64: 128, 128>}, {transform_indices = @transform_6, window_bounds = array<i64: 1000, 128>}]} {
    %get3A = arith.constant 0 : index
    %get3A_0 = arith.constant 0 : index
    %get3A_1 = arith.constant 0 : index
    %get3A_2 = vector.load %arg1[%get3A, %get3A_0, %get3A_1] : memref<1x1000x128xf32, #tpu.memory_space<vmem>>, vector<1x1000x128xf32>
    %get3A_3 = vector.shape_cast %get3A_2 : vector<1x1000x128xf32> to vector<1000x128xf32>
    %get3A_4 = arith.constant 0 : index
    %get3A_5 = arith.constant 0 : index
    %get3A_6 = arith.constant 0 : index
    %get3A_7 = vector.load %arg3[%get3A_4, %get3A_5, %get3A_6] : memref<1x1000x1xf32, #tpu.memory_space<vmem>>, vector<1x1000x1xf32>
    %get3A_8 = vector.shape_cast %get3A_7 : vector<1x1000x1xf32> to vector<1000x1xf32>
    %max3A = arith.constant 1.000000e+00 : f32
    %max3A_9 = vector.broadcast %max3A : f32 to vector<1000x1xf32>
    %max3A_10 = arith.maximumf %get3A_8, %max3A_9 : vector<1000x1xf32>
    %div3A = vector.broadcast %max3A_10 : vector<1000x1xf32> to vector<1000x128xf32>
    %div3A_11 = arith.divf %get3A_3, %div3A : vector<1000x128xf32>
    %get3A_12 = arith.constant 0 : index
    %get3A_13 = arith.constant 0 : index
    %get3A_14 = arith.constant 0 : index
    %get3A_15 = vector.load %arg2[%get3A_12, %get3A_13, %get3A_14] : memref<1x1000x128xf32, #tpu.memory_space<vmem>>, vector<1x1000x128xf32>
    %get3A_16 = vector.shape_cast %get3A_15 : vector<1x1000x128xf32> to vector<1000x128xf32>
    %get3A_17 = arith.constant 0 : index
    %get3A_18 = arith.constant 0 : index
    %get3A_19 = arith.constant 0 : index
    %get3A_20 = vector.load %arg4[%get3A_17, %get3A_18, %get3A_19] : memref<1x1000x1xf32, #tpu.memory_space<vmem>>, vector<1x1000x1xf32>
    %get3A_21 = vector.shape_cast %get3A_20 : vector<1x1000x1xf32> to vector<1000x1xf32>
    %max3A_22 = arith.constant 1.000000e+00 : f32
    %max3A_23 = vector.broadcast %max3A_22 : f32 to vector<1000x1xf32>
    %max3A_24 = arith.maximumf %get3A_21, %max3A_23 : vector<1000x1xf32>
    %div3A_25 = vector.broadcast %max3A_24 : vector<1000x1xf32> to vector<1000x128xf32>
    %div3A_26 = arith.divf %get3A_16, %div3A_25 : vector<1000x128xf32>
    %get3A_27 = arith.constant 0 : index
    %get3A_28 = arith.constant 0 : index
    %get3A_29 = vector.load %arg5[%get3A_27, %get3A_28] : memref<128x128xf32, #tpu.memory_space<vmem>>, vector<128x128xf32>
    %dot_general3A = arith.constant dense<0.000000e+00> : vector<1000x128xf32>
    %dot_general3A_30 = tpu.matmul %div3A_11, %get3A_29, %dot_general3A {dimension_numbers = #tpu.dot_dimension_numbers<[1], [1], [0], [0], [0, 0, 1, 0], [], []>, transpose_lhs_hint = false} : vector<1000x128xf32>, vector<128x128xf32>, vector<1000x128xf32> -> vector<1000x128xf32>
    %get3A_31 = arith.constant 0 : index
    %get3A_32 = arith.constant 0 : index
    %get3A_33 = vector.load %arg6[%get3A_31, %get3A_32] : memref<128x128xf32, #tpu.memory_space<vmem>>, vector<128x128xf32>
    %dot_general3A_34 = arith.constant dense<0.000000e+00> : vector<1000x128xf32>
    %dot_general3A_35 = tpu.matmul %div3A_26, %get3A_33, %dot_general3A_34 {dimension_numbers = #tpu.dot_dimension_numbers<[1], [1], [0], [0], [0, 0, 1, 0], [], []>, transpose_lhs_hint = false} : vector<1000x128xf32>, vector<128x128xf32>, vector<1000x128xf32> -> vector<1000x128xf32>
    %add3A = arith.addf %dot_general3A_30, %dot_general3A_35 : vector<1000x128xf32>
    %swap3A = arith.constant 0 : index
    %swap3A_36 = arith.constant 0 : index
    %swap3A_37 = vector.load %arg7[%swap3A, %swap3A_36] : memref<1000x128xf32, #tpu.memory_space<vmem>>, vector<1000x128xf32>
    tpu.vector_store %arg7[%swap3A, %swap3A_36], %add3A {strides = array<i32>} : memref<1000x128xf32, #tpu.memory_space<vmem>>, vector<1000x128xf32>,
    return
  }
  func.func @transform_0(%arg0: i32) -> (i32, i32, i32) {
    %c0_i32 = arith.constant 0 : i32
    %c0_i32_0 = arith.constant 0 : i32
    %c0_i32_1 = arith.constant 0 : i32
    return %c0_i32, %arg0, %c0_i32_0 : i32, i32, i32
  }
  func.func @transform_1(%arg0: i32) -> (i32, i32, i32) {
    %c1_i32 = arith.constant 1 : i32
    %c0_i32 = arith.constant 0 : i32
    %c0_i32_0 = arith.constant 0 : i32
    return %c1_i32, %arg0, %c0_i32 : i32, i32, i32
  }
  func.func @transform_2(%arg0: i32) -> (i32, i32, i32) {
    %c0_i32 = arith.constant 0 : i32
    %c0_i32_0 = arith.constant 0 : i32
    %c0_i32_1 = arith.constant 0 : i32
    return %c0_i32, %arg0, %c0_i32_0 : i32, i32, i32
  }
  func.func @transform_3(%arg0: i32) -> (i32, i32, i32) {
    %c1_i32 = arith.constant 1 : i32
    %c0_i32 = arith.constant 0 : i32
    %c0_i32_0 = arith.constant 0 : i32
    return %c1_i32, %arg0, %c0_i32 : i32, i32, i32
  }
  func.func @transform_4(%arg0: i32) -> (i32, i32) {
    %c0_i32 = arith.constant 0 : i32
    %c0_i32_0 = arith.constant 0 : i32
    %c0_i32_1 = arith.constant 0 : i32
    return %c0_i32, %c0_i32_0 : i32, i32
  }
  func.func @transform_5(%arg0: i32) -> (i32, i32) {
    %c0_i32 = arith.constant 0 : i32
    %c0_i32_0 = arith.constant 0 : i32
    %c0_i32_1 = arith.constant 0 : i32
    return %c0_i32, %c0_i32_0 : i32, i32
  }
  func.func @transform_6(%arg0: i32) -> (i32, i32) {
    %c0_i32 = arith.constant 0 : i32
    %c0_i32_0 = arith.constant 0 : i32
    return %arg0, %c0_i32 : i32, i32
  }
}

</mosaic_0001>

<sc_bundles>
// kernel: kernel.4.cloned.1.call-start
scs
__scs_entry_jumppad:
0x0: {  	(pc) =	sbr.rel $0x88, $3  }
0x1: {  	(tag) =	ssettag $0x0;
	lr =	simm.s32 $0x1  }
0x2: {  	[smem:$0x3F9C] =	sst lr;
	_ =	strace $0xD0000000  }
0x3: {  	_ = 	snop  }
0x4: {  	_ = 	snop  }
0x5: {  	_ = 	snop  }
0x6: {  	_ = 	snop  }
0x7: {  	_ = 	snop  }
__scs_overlays_trampoline_lowered:
0x8: {  	[smem:$0x3FAB] =	sst s0  }
0x9: {  	[smem:$0x3FAC] =	sst s1  }
0xa: {  	[smem:$0x3FAD] =	sst s2  }
0xb: {  	[smem:$0x3FAE] =	sst s3  }
0xc: {  	[smem:$0x3FAF] =	sst s4  }
0xd: {  	[smem:$0x3FB0] =	sst s5  }
0xe: {  	[smem:$0x3FB1] =	sst s6  }
0xf: {  	[smem:$0x3FB2] =	sst s7  }
0x10: {  	[smem:$0x3FB3] =	sst s8  }
0x11: {  	[smem:$0x3FB4] =	sst s9;
	s0 =	simm.s32 @!p0 $0x0  }
0x12: {  	s1 =	sld [smem:$0x3F9A];
	s0 =	simm.s32 @p0 $0x1  }
0x13: {  	[smem:$0x3FB5] =	sst s0;
	s0 =	simm.s32 @!p1 $0x0  }
0x14: {  	s2 =	sld [smem:$0x3F99];
	s0 =	simm.s32 @p1 $0x1  }
0x15: {  	[smem:$0x3FB6] =	sst s0;
	s0 =	simm.s32 @!p2 $0x0  }
0x16: {  	s3 =	sld [smem:$0x3FDB];
	s0 =	simm.s32 @p2 $0x1  }
0x17: {  	s4 =	simm.s32 $0x1BF5;
	[smem:$0x3FB8] =	sst s0  }
0x18: {  	s0 =	sld [smem:$0x3F9B];
	_ =	swait.ge [sflag:s4], $0x0  }
0x19: {  	s7 =	sld [smem:$0x3F9C]  }
0x1a: {  	s8 =	sadd.s32 $0xFFFFE003, lr  }
0x1b: {  	s9 =	sadd.s32 $0xFFFFFEF7, lr;
	s5 =	simm.s32 $0xFFFFFFFF;
	p2 =	slt.u32 s8, $0xFFFFF086  }
0x1c: {  	p1 =	slt.u32 s9, $0xF7A;
	s5 =	simm.s32 @!p2 $0x0  }
0x1d: {  	s5 =	simm.s32 @p1 $0x1;
	p0 =	seq.s32 s7, s2  }
0x1e: {  	s7 =	smul.u32 @!p0 $0xF7A, s2;
	p2 =	seq.s32 @!p0 s5, $0x0  }
0x1f: {  	s9 =	smul.u32 $0xF7A, s1;
	s8 =	simm.s32 @!p0 $0x1BF5;
	p2 =	por !p2, p0  }
0x20: {  	[sflag:s8] =	ssyncset.s32 @!p0 $0xFFFFF086;
	s6 =	sadd.s32 @!p0 s3, s7;
	s7 =	simm.s32 @!p0 $0x108  }
0x21: {  	s3 =	sadd.s32 s3, s9;
	s6 =	sadd.s32 @!p0 $0x88, s6;
	s7 =	simm.s32 @p2 $0x1082  }
0x22: {  	[simem:s7], [sflag:s8] =	dma.local @!p0 [hbm:s6], $0xF7A  }
0x23: {  	s9 =	sor.u32 $0xD0000000, s2;
	s6 =	simm.s32 $0x108;
	_ =	swait.ge @!p0 [sflag:s8], $0x0  }
0x24: {  	s3 =	sadd.s32 $0x88, s3;
	s6 =	simm.s32 @!p1 $0x1082;
	[sflag:s4] =	ssyncset.s32 $0xFFFFF086  }
0x25: {  	[simem:s6], [sflag:s4] =	dma.local [hbm:s3], $0xF7A  }
0x26: {  	[smem:$0x3F9C] =	sst s1;
	(tag) =	ssettag s2;
	_ =	strace s9  }
0x27: {  	s1 =	sld [smem:$0x3FAC]  }
0x28: {  	s2 =	sld [smem:$0x3FAD]  }
0x29: {  	s4 =	sld [smem:$0x3FAF]  }
0x2a: {  	p0 =	seq.s32 s5, $0x0;
	s5 =	sld [smem:$0x3FB0]  }
0x2b: {  	s6 =	sld [smem:$0x3FB1]  }
0x2c: {  	s7 =	sld [smem:$0x3FB2]  }
0x2d: {  	s3 =	simm.s32 $0x108;
	s8 =	sld [smem:$0x3FB3]  }
0x2e: {  	s3 =	simm.s32 @!p0 $0x1082;
	s9 =	sld [smem:$0x3FB4]  }
0x2f: {  	lr =	sadd.s32 s0, s3;
	s0 =	sld [smem:$0x3FAB]  }
0x30: {  	s3 =	sld [smem:$0x3FAE]  }
0x31: {  	[smem:$0x3FB7] =	sst s10  }
0x32: {  	s10 =	sld [smem:$0x3FB5];
	_ =	sdelay $0x3  }
0x33: {  	p0 =	seq.s32 s10, $0x1;
	s10 =	sld [smem:$0x3FB7];
	_ =	sdelay $0x3  }
0x34: {  	[smem:$0x3FB7] =	sst s10  }
0x35: {  	s10 =	sld [smem:$0x3FB6];
	_ =	sdelay $0x3  }
0x36: {  	p1 =	seq.s32 s10, $0x1;
	s10 =	sld [smem:$0x3FB7];
	_ =	sdelay $0x3  }
0x37: {  	[smem:$0x3FB7] =	sst s10  }
0x38: {  	s10 =	sld [smem:$0x3FB8]  }
0x39: {  	_ = 	snop;
	(pc) =	sbr.ind lr, $3  }
0x3a: {  	_ = 	snop  }
0x3b: {  	_ = 	snop  }
0x3c: {  	p2 =	seq.s32 s10, $0x1;
	s10 =	sld [smem:$0x3FB7]  }
0x3d: {  	_ =	shalt  }
0x3e: {  	_ =	shalt  }
0x3f: {  	_ =	shalt  }
0x40: {  	_ =	shalt  }
0x41: {  	_ =	shalt  }
0x42: {  	_ =	shalt  }
0x43: {  	_ =	shalt  }
0x44: {  	_ =	shalt  }
0x45: {  	_ =	shalt  }
0x46: {  	_ =	shalt  }
0x47: {  	_ =	shalt  }
0x48: {  	_ =	shalt  }
0x49: {  	_ =	shalt  }
0x4a: {  	_ =	shalt  }
0x4b: {  	_ =	shalt  }
0x4c: {  	_ =	shalt  }
0x4d: {  	_ =	shalt  }
0x4e: {  	_ =	shalt  }
0x4f: {  	_ =	shalt  }
0x50: {  	_ =	shalt  }
0x51: {  	_ =	shalt  }
0x52: {  	_ =	shalt  }
0x53: {  	_ =	shalt  }
0x54: {  	_ =	shalt  }
0x55: {  	_ =	shalt  }
0x56: {  	_ =	shalt  }
0x57: {  	_ =	shalt  }
0x58: {  	_ =	shalt  }
0x59: {  	_ =	shalt  }
0x5a: {  	_ =	shalt  }
0x5b: {  	_ =	shalt  }
0x5c: {  	_ =	shalt  }
0x5d: {  	_ =	shalt  }
0x5e: {  	_ =	shalt  }
0x5f: {  	_ =	shalt  }
0x60: {  	_ =	shalt  }
0x61: {  	_ =	shalt  }
0x62: {  	_ =	shalt  }
0x63: {  	_ =	shalt  }
0x64: {  	_ =	shalt  }
0x65: {  	_ =	shalt  }
0x66: {  	_ =	shalt  }
0x67: {  	_ =	shalt  }
0x68: {  	_ =	shalt  }
0x69: {  	_ =	shalt  }
0x6a: {  	_ =	shalt  }
0x6b: {  	_ =	shalt  }
0x6c: {  	_ =	shalt  }
0x6d: {  	_ =	shalt  }
0x6e: {  	_ =	shalt  }
0x6f: {  	_ =	shalt  }
0x70: {  	_ =	shalt  }
0x71: {  	_ =	shalt  }
0x72: {  	_ =	shalt  }
0x73: {  	_ =	shalt  }
0x74: {  	_ =	shalt  }
0x75: {  	_ =	shalt  }
0x76: {  	_ =	shalt  }
0x77: {  	_ =	shalt  }
0x78: {  	_ =	shalt  }
0x79: {  	_ =	shalt  }
0x7a: {  	_ =	shalt  }
0x7b: {  	_ =	shalt  }
0x7c: {  	_ =	shalt  }
0x7d: {  	_ =	shalt  }
0x7e: {  	_ =	shalt  }
0x7f: {  	_ =	shalt  }
0x80: {  	_ =	shalt  }
0x81: {  	_ =	shalt  }
0x82: {  	_ =	shalt  }
0x83: {  	_ =	shalt  }
0x84: {  	_ =	shalt  }
0x85: {  	_ =	shalt  }
0x86: {  	_ =	shalt  }
0x87: {  	_ =	shalt  }
.Lfunc_end0:
.L_simem_size_0:
called_computation_lowered:
.L_overlay_start_0:
0x88: {  	s2 =	sld [smem:$0x3FD9]  }
0x89: {  	s3 =	sld [smem:$0x3FFE];
	_ =	sdelay $0x1  }
0x8a: {  	s1 =	srdreg.scid  }
0x8b: {  	s0 =	sand.u32 $0x1, s1  }
0x8c: {  	s17 =	sshll.u32 s0, $0xA;
	s2 =	sadd.s32 s3, s2  }
0x8d: {  	s2 =	sadd.s32 s2, s17  }
0x8e: {  	[smem:$0x3FC3] =	sst s2  }
0x8f: {  	_ = 	snop  }
0x90: {  	s2 =	sld [smem:$0x3FC9]  }
0x91: {  	s18 =	sld [smem:$0x3FD0];
	(tm) =	ssettm $0x1  }
0x92: {  	s4 =	sld [smem:$0x3FFB];
	_ =	sdelay $0x3  }
0x93: {  	_ =	strace s4  }
0x94: {  	s4 =	sld [smem:$0x3FFC];
	_ =	sdelay $0x3  }
0x95: {  	_ =	strace s4  }
0x96: {  	s4 =	sld [smem:$0x3FFD];
	_ =	sdelay $0x3  }
0x97: {  	_ =	strace s4  }
0x98: {  	_ =	strace $0x8FFFFFFF  }
0x99: {  	s19 =	sld [smem:$0x3FDB];
	_ =	sdelay $0x1  }
0x9a: {  	s5 =	simm.s32 $_scs_section_size  }
0x9b: {  	s6 =	simm.s32 $_size__tile_overlayer_lowered;
	s7 =	simm.s32 $_tile_overlayer_lowered  }
0x9c: {  	s22 =	simm.s32 $0x1BFF;
	s21 =	sshll.u32 s7, $0x1;
	s4 =	sadd.s32 s5, s19  }
0x9d: {  	s8 =	simm.s32 $0x0;
	s20 =	sshll.u32 s6, $0x1;
	s6 =	sadd.s32 s21, s4  }
0x9e: {  	[timem:s8], [sflag:s22] =	dma.local [hbm:s6], s20  }
0x9f: {  	_ =	swait.ge [sflag:s22], s20  }
0xa0: {  	s5 =	ssub.s32 $0x0, s20;
	[sflag:s22] =	ssyncset.done $0x0  }
0xa1: {  	[sflag:s22] =	ssyncadd.s32 s5;
	_ =	sdelay $0x1  }
0xa2: {  	s23 =	simm.s32 $0x1B8B  }
0xa3: {  	_ =	swait.ge [sflag:s23], $0x1  }
0xa4: {  	[sflag:s23] =	ssyncset.done $0x0  }
0xa5: {  	s25 =	simm.s32 $0x1B8E;
	s24 =	sld [smem:$0x3FFE];
	[sflag:s23] =	ssyncadd.s32 $0xFFFFFFFF  }
0xa6: {  	s26 =	simm.s32 $execute0_lowered;
	[smem:$0x3FD2] =	sst s25  }
0xa7: {  	s6 =	sshll.u32 s26, $0x1;
	_ =	strace $0x80000046;
	[dreg:$0x1] =	wrdreg $0xFFFFFFFF  }
0xa8: {  	s28 =	simm.s32 $_size_execute0_lowered;
	s4 =	sadd.s32 s4, s6;
	[dreg:$0x0] =	wrdreg $0x0  }
0xa9: {  	s6 =	sshll.u32 s28, $0x1;
	[dreg:$0x2] =	wrdreg s4  }
0xaa: {  	[dreg:$0x3] =	wrdreg s6  }
0xab: {  	[dreg:$0x4] =	wrdreg $0xC0  }
0xac: {  	_ =	task [dreg:s8], $0x5FFFF  }
0xad: {  	[dreg:$0x1] =	wrdreg $0xFFFFFFFF  }
0xae: {  	[dreg:$0x0] =	wrdreg $0x60  }
0xaf: {  	[dreg:$0x2] =	wrdreg s2  }
0xb0: {  	[dreg:$0x3] =	wrdreg s18  }
0xb1: {  	[dreg:$0x4] =	wrdreg s24  }
0xb2: {  	[dreg:$0x5] =	wrdreg $0xAD800  }
0xb3: {  	[dreg:$0x6] =	wrdreg $0x1ED800  }
0xb4: {  	[dreg:$0x7] =	wrdreg $0x9  }
0xb5: {  	_ =	task.clear_ibuf [dreg:s8], $0x8FFFF;
	_ =	strace $0x90000046  }
0xb6: {  	s29 =	simm.s32 $0x9;
	_ =	strace $0x80000048  }
0xb7: {  	_ =	swait.ge [sflag:s29], $0x1  }
0xb8: {  	[sflag:s29] =	ssyncadd.s32 $0xFFFFFFFF  }
0xb9: {  	_ =	strace $0x90000048  }
0xba: {  	_ =	sfence  }
0xbb: {  	s30 =	sld [smem:$0x0];
	_ =	sdelay $0x2  }
0xbc: {  	s31 =	sshll.u32 s1, $0xD;
	s1 =	sshrl.u32 s1, $0x2  }
0xbd: {  	s3 =	sand.u32 $0x4000, s31;
	s1 =	sadd.s32 s1, s30  }
0xbe: {  	s0 =	sor.u32 s3, s0;
	s1 =	sshll.u32 s1, $0x11  }
0xbf: {  	s0 =	sor.u32 s1, s0  }
0xc0: {  	s0 =	sadd.s32 $0x8F2B, s0  }
0xc1: {  	[sflag:s0] =	ssyncadd.remote.s32 $0x1  }
0xc2: {  	_ =	sfence.sel $0xFFFF  }
0xc3: {  	[dreg:$0x0] =	wrdreg $0xFFFFFFFF;
	(pc) =	sbr.abs _section_cstart, $3  }
0xc4: {  	[dreg:$0x1] =	wrdreg $0xFFFFFFFF  }
0xc5: {  	_ =	task.clear_ibuf [dreg:s8], $0x2FFFF;
	_ =	strace $0x9FFFFFFF  }
0xc6: {  	(tm) =	ssettm $0x7FFFFFFF  }
0xc7: {  	_ =	shalt  }
tec
execute0_lowered:
.L_overlay_start_1:
0x0: {  	(tag) =	ssettag $0x1  }
0x1: {  	s0 =	rddreg [dreg:$0x0]  }
0x2: {  	s1 =	rddreg [dreg:$0x1]  }
0x3: {  	s2 =	rddreg [dreg:$0x2];
	s4 =	srdreg.scid  }
0x4: {  	s3 =	rddreg [dreg:$0x3];
	s17 =	stileid.u32  }
0x5: {  	s15 =	rddreg [dreg:$0x4];
	s5 =	simm.s32 $0x0;
	s28 =	simm.s32 $0x280  }
0x6: {  	s30 =	simm.s32 $0x2;
	s31 =	simm.s32 $0x100;
	s7 =	smul.u32 $0x14000, s17  }
0x7: {  	s4 =	sand.u32 $0x1, s4;
	[smem:$0x7FF] =	sst s5;
	s11 =	smul.u32 $0x50000, s17  }
0x8: {  	s9 =	sshll.u32 s17, $0xA;
	s12 =	sshrl.u32 s17, $0x3;
	s6 =	smul.u32 $0x140000, s4  }
0x9: {  	s13 =	sshll.u32 s17, $0x7;
	s20 =	smul.u32 $0x2800, s4;
	_ =	strace $0x80000047  }
0xa: {  	s21 =	ssub.s32 $0x2, s4;
	s12 =	smul.u32 $0x27400, s12;
	s23 =	sand.u32 $0x380, s13  }
0xb: {  	p0 =	seq.s32 s4, $0x0;
	s22 =	sshrl.u32 s21, $0x1;
	s11 =	sshrl.u32 s11, $0x2  }
0xc: {  	s6 =	sadd.s32 s7, s6;
	s7 =	sadd.s32 s9, s20;
	s14 =	ssub.s32 s21, s22  }
0xd: {  	s19 =	sadd.s32 s11, s3;
	s22 =	sadd.s32 s9, s15;
	s4 =	sor.u32 s23, s12  }
0xe: {  	s9 =	simm.s32 $0x8500;
	s8 =	sshrl.u32 s6, $0x3;
	s6 =	sadd.s32 $0x1000, s2  }
0xf: {  	s7 =	sshrl.u32 s7, $0x3;
	s24 =	sshrl.u32 s4, $0x3;
	s11 =	sadd.s32 $0x4E800, s4  }
0x10: {  	s12 =	sadd.s32 $0x400, s4;
	s25 =	sadd.s32 $0x4EC00, s4;
	s26 =	sadd.s32 $0x27000, s4  }
0x11: {  	s16 =	sadd.s32 $0x75800, s4;
	s18 =	sadd.s32 $0xC000, s19;
	[dreg:$0xd] =	wrdreg s19  }
0x12: {  	s20 =	sadd.s32 $0x10000, s19;
	s23 =	sadd.s32 $0x4F800, s4;
	[dreg:$0xe] =	wrdreg s22  }
0x13: {  	s10 =	sadd.s32 s8, s2;
	s2 =	sadd.s32 s7, s2;
	s11 =	sshrl.u32 s11, $0x3  }
0x14: {  	s12 =	sshrl.u32 s12, $0x3;
	s13 =	sshrl.u32 s25, $0x3;
	s15 =	sshrl.u32 s26, $0x3  }
0x15: {  	s16 =	sshrl.u32 s16, $0x3;
	s8 =	smax.u32 s14, $0x1;
	[dreg:$0x14] =	wrdreg s18  }
0x16: {  	s14 =	sadd.s32 $0x8000, s19;
	s6 =	smov.u32 @p0 s1;
	[dreg:$0x15] =	wrdreg s20  }
0x17: {  	s1 =	sshrl.u32 s23, $0x3;
	s7 =	sadd.s32 $0x4F400, s4;
	[dreg:$0x11] =	wrdreg s8  }
0x18: {  	s18 =	sadd.s32 $0x1400, s4;
	s29 =	sadd.s32 $0x15400, s10;
	[dreg:$0x13] =	wrdreg s14  }
0x19: {  	s20 =	sadd.s32 $0x4FC00, s4;
	s2 =	sadd.s32 $0x14A00, s2;
	[dreg:$0xf] =	wrdreg s29  }
0x1a: {  	p0 =	sgt.u32 s17, $0x9;
	s10 =	sadd.s32 $0x4000, s19;
	[dreg:$0x10] =	wrdreg s2  }
0x1b: {  	s21 =	sadd.s32 s6, s24;
	s24 =	sadd.s32 s6, s11;
	[dreg:$0x12] =	wrdreg s10  }
0x1c: {  	s25 =	sadd.s32 s6, s12;
	s26 =	sadd.s32 s6, s13;
	[dreg:$0x16] =	wrdreg s21  }
0x1d: {  	s1 =	sadd.s32 s1, s6;
	s8 =	sadd.s32 $0x800, s4;
	[dreg:$0x17] =	wrdreg s24  }
0x1e: {  	s13 =	sadd.s32 $0x4F000, s4;
	s23 =	sshrl.u32 s20, $0x3;
	[dreg:$0x18] =	wrdreg s25  }
0x1f: {  	s20 =	simm.s32 $0x9;
	[dreg:$0x19] =	wrdreg s26;
	s29 =	sadd.s32 $0xC00, s4  }
0x20: {  	[dreg:$0x6] =	wrdreg s1;
	s11 =	sshrl.u32 s8, $0x3;
	s14 =	sshrl.u32 s13, $0x3  }
0x21: {  	s24 =	sadd.s32 s6, s15;
	s25 =	sadd.s32 s23, s6;
	s26 =	sadd.s32 s6, s16  }
0x22: {  	s23 =	simm.s32 $0x500;
	s13 =	simm.s32 $0x380;
	s15 =	simm.s32 $0x4  }
0x23: {  	s16 =	simm.s32 $0x8;
	s2 =	sshrl.u32 s29, $0x3;
	[dreg:$0x1a] =	wrdreg s24  }
0x24: {  	s12 =	sadd.s32 s11, s6;
	[dreg:$0x1b] =	wrdreg s26;
	s29 =	sadd.s32 $0x1000, s4  }
0x25: {  	[dreg:$0xc] =	wrdreg s25;
	s24 =	simm.s32 $0xA;
	s25 =	simm.s32 $0x200  }
0x26: {  	s26 =	simm.s32 $0x80;
	s4 =	simm.s32 $0x4500;
	[dreg:$0x9] =	wrdreg s12  }
0x27: {  	s1 =	sadd.s32 s2, s6;
	s2 =	sshrl.u32 s7, $0x3;
	[dreg:$0x1c] =	wrdreg s29  }
0x28: {  	s11 =	simm.s32 $0x7;
	[dreg:$0x7] =	wrdreg s1;
	s10 =	sadd.s32 s2, s6  }
0x29: {  	s12 =	simm.s32 $0x180;
	s1 =	sadd.s32 s14, s6;
	[dreg:$0x8] =	wrdreg s10  }
0x2a: {  	v0 =	vlaneseq.u32;
	s2 =	sshrl.u32 s18, $0x3;
	s14 =	simm.s32 $0x6;
	[dreg:$0xa] =	wrdreg s1  }
0x2b: {  	v1 =	vimm.f32 $0.0e+00;
	v2 =	vor.u32 $0x10, v0;
	s21 =	sadd.s32 s2, s6;
	s2 =	simm.s32 $0x300;
	s1 =	simm.s32 $0x5  }
0x2c: {  	v3 =	vor.u32 $0x20, v0;
	v4 =	vor.u32 $0x30, v0;
	v5 =	vor.u32 $0x40, v0;
	s10 =	simm.s32 $0x3;
	[dreg:$0xb] =	wrdreg s21;
	s21 =	simm.s32 $0x0  }
.LBB2_1:
0x2d: {  	s17 =	simm.s32 $0x0;
	s18 =	simm.s32 $0x200  }
.LBB2_2:
0x2e: {  	p1 =	sne.s32 s18, $0xFE00;
	[tilespmem:s17+$0x570] =	vst v1  }
0x2f: {  	[tilespmem:s17+$0x500] =	vst v1  }
0x30: {  	[tilespmem:s17+$0x510] =	vst v1  }
.Ltmp0:
0x31: {  	[tilespmem:s17+$0x520] =	vst v1;
	(pc) =	sbr.rel @p1 .LBB2_2-.Ltmp0, $4  }
0x32: {  	[tilespmem:s17+$0x530] =	vst v1  }
0x33: {  	[tilespmem:s17+$0x540] =	vst v1  }
0x34: {  	[tilespmem:s17+$0x550] =	vst v1  }
0x35: {  	[tilespmem:s17+$0x560] =	vst v1;
	s17 =	sshra.s32 s18, $0x2;
	s18 =	sadd.s32 $0x200, s18  }
0x36: {  	[tilespmem:s17+$0x570] =	vst v1  }
0x37: {  	[tilespmem:s17+$0x500] =	vst v1  }
0x38: {  	[tilespmem:s17+$0x510] =	vst v1  }
0x39: {  	[tilespmem:s17+$0x520] =	vst v1  }
0x3a: {  	[tilespmem:s17+$0x530] =	vst v1  }
0x3b: {  	[tilespmem:s17+$0x540] =	vst v1  }
0x3c: {  	[tilespmem:s17+$0x550] =	vst v1  }
0x3d: {  	[tilespmem:s17+$0x560] =	vst v1;
	s17 =	simm.s32 $0x0;
	s18 =	simm.s32 $0x200  }
.LBB2_4:
0x3e: {  	p1 =	sne.s32 s18, $0xFE00;
	[tilespmem:s17+$0x4570] =	vst v1  }
0x3f: {  	[tilespmem:s17+$0x4500] =	vst v1  }
0x40: {  	[tilespmem:s17+$0x4510] =	vst v1  }
.Ltmp1:
0x41: {  	[tilespmem:s17+$0x4520] =	vst v1;
	(pc) =	sbr.rel @p1 .LBB2_4-.Ltmp1, $4  }
0x42: {  	[tilespmem:s17+$0x4530] =	vst v1  }
0x43: {  	[tilespmem:s17+$0x4540] =	vst v1  }
0x44: {  	[tilespmem:s17+$0x4550] =	vst v1  }
0x45: {  	[tilespmem:s17+$0x4560] =	vst v1;
	s17 =	sshra.s32 s18, $0x2;
	s18 =	sadd.s32 $0x200, s18  }
0x46: {  	[tilespmem:s17+$0x4570] =	vst v1  }
0x47: {  	[tilespmem:s17+$0x4500] =	vst v1  }
0x48: {  	[tilespmem:s17+$0x4510] =	vst v1  }
0x49: {  	[tilespmem:s17+$0x4520] =	vst v1  }
0x4a: {  	[tilespmem:s17+$0x4530] =	vst v1  }
0x4b: {  	[tilespmem:s17+$0x4540] =	vst v1  }
0x4c: {  	[tilespmem:s17+$0x4550] =	vst v1  }
0x4d: {  	[tilespmem:s17+$0x4560] =	vst v1;
	s17 =	simm.s32 $0x70;
	s18 =	simm.s32 $0x3C0  }
.LBB2_6:
0x4e: {  	p1 =	sne.s32 s18, $0x9FC0;
	[tilespmem:s17+$0x8500] =	vst v1  }
0x4f: {  	[tilespmem:s17+$0x8490] =	vst v1  }
0x50: {  	[tilespmem:s17+$0x84A0] =	vst v1  }
.Ltmp2:
0x51: {  	[tilespmem:s17+$0x84B0] =	vst v1;
	(pc) =	sbr.rel @p1 .LBB2_6-.Ltmp2, $4  }
0x52: {  	[tilespmem:s17+$0x84C0] =	vst v1  }
0x53: {  	[tilespmem:s17+$0x84D0] =	vst v1  }
0x54: {  	[tilespmem:s17+$0x84E0] =	vst v1  }
0x55: {  	[tilespmem:s17+$0x84F0] =	vst v1;
	s17 =	sshra.s32 s18, $0x2;
	s18 =	sadd.s32 $0x200, s18  }
0x56: {  	[tilespmem:s17+$0x8500] =	vst v1  }
0x57: {  	[tilespmem:s17+$0x8490] =	vst v1  }
0x58: {  	[tilespmem:s17+$0x84A0] =	vst v1  }
0x59: {  	[tilespmem:s17+$0x84B0] =	vst v1  }
0x5a: {  	[tilespmem:s17+$0x84C0] =	vst v1  }
0x5b: {  	[tilespmem:s17+$0x84D0] =	vst v1  }
0x5c: {  	[tilespmem:s17+$0x84E0] =	vst v1  }
0x5d: {  	[tilespmem:s17+$0x84F0] =	vst v1  }
0x5e: {  	[tilespmem:$0xAD00] =	vst v0  }
0x5f: {  	[tilespmem:$0xAD10] =	vst v2  }
0x60: {  	[tilespmem:$0xAD20] =	vst v3  }
0x61: {  	[tilespmem:$0xAD30] =	vst v4  }
0x62: {  	[tilespmem:$0xAD40] =	vst v5  }
0x63: {  	[spmem:s19] =	stream.linear.scatter [tilespmem:s23], [sflag:$0xA], $0x4000, $0x38;
	[tilespmem:$0x1F000] =	vst v63  }
0x64: {  	_ =	swait.ge [sflag:s24], $0x4000  }
0x65: {  	[sflag:s24] =	ssyncset.done $0x0  }
0x66: {  	s7 =	rddreg [dreg:$0x12];
	[sflag:s24] =	ssyncadd.s32 $0xFFFFC000  }
0x67: {  	[spmem:s7] =	stream.linear.scatter [tilespmem:s23], [sflag:$0xA], $0x4000, $0x38;
	[tilespmem:$0x1F000] =	vst v63  }
0x68: {  	_ =	swait.ge [sflag:s24], $0x4000  }
0x69: {  	[sflag:s24] =	ssyncset.done $0x0  }
0x6a: {  	s18 =	rddreg [dreg:$0x13];
	[sflag:s24] =	ssyncadd.s32 $0xFFFFC000  }
0x6b: {  	[spmem:s18] =	stream.linear.scatter [tilespmem:s23], [sflag:$0xA], $0x4000, $0x38;
	[tilespmem:$0x1F000] =	vst v63  }
0x6c: {  	_ =	swait.ge [sflag:s24], $0x4000  }
0x6d: {  	[sflag:s24] =	ssyncset.done $0x0  }
0x6e: {  	s19 =	rddreg [dreg:$0x14];
	[sflag:s24] =	ssyncadd.s32 $0xFFFFC000  }
0x6f: {  	[spmem:s19] =	stream.linear.scatter [tilespmem:s23], [sflag:$0xA], $0x4000, $0x38;
	[tilespmem:$0x1F000] =	vst v63  }
0x70: {  	_ =	swait.ge [sflag:s24], $0x4000  }
0x71: {  	[sflag:s24] =	ssyncset.done $0x0  }
0x72: {  	s29 =	rddreg [dreg:$0x15];
	[sflag:s24] =	ssyncadd.s32 $0xFFFFC000  }
0x73: {  	[spmem:s29] =	stream.linear.scatter [tilespmem:s23], [sflag:$0xA], $0x4000, $0x38;
	[tilespmem:$0x1F000] =	vst v63  }
0x74: {  	_ =	swait.ge [sflag:s24], $0x4000  }
0x75: {  	[sflag:s24] =	ssyncset.done $0x0  }
0x76: {  	s17 =	simm.s32 @!p0 $0x500;
	[sflag:s24] =	ssyncadd.s32 $0xFFFFC000  }
0x77: {  	[spmem:s22] =	stream.linear.scatter @!p0 [tilespmem:s17], [sflag:$0xA], $0x400, $0x38;
	[tilespmem:$0x1F000] =	vst v63  }
0x78: {  	s17 =	simm.s32 @!p0 $0xA  }
0x79: {  	_ =	swait.ge @!p0 [sflag:s17], $0x400  }
0x7a: {  	[sflag:s17] =	ssyncset.done @!p0 $0x0  }
0x7b: {  	[sflag:s17] =	ssyncadd.s32 @!p0 $0xFFFFFC00  }
0x7c: {  	[bflag:$0x0] =	sbarrier.arrive $0xFFFF  }
0x7d: {  	s22 =	simm.s32 $0x0;
	s8 =	rddreg [dreg:$0x16]  }
0x7e: {  	[tilespmem:s22], [sflag:$0x1] =	stream.linear.gather [hbm4b:s8+s22], $0x80, $0x38;
	[tilespmem:$0x1F000] =	vst v63  }
0x7f: {  	s17 =	rddreg [dreg:$0x17]  }
0x80: {  	[tilespmem:s25], [sflag:$0x1] =	stream.linear.gather [hbm4b:s17+s22], $0x80, $0x38;
	[tilespmem:$0x1F000] =	vst v63  }
0x81: {  	s18 =	rddreg [dreg:$0x18]  }
0x82: {  	[tilespmem:s26], [sflag:$0x2] =	stream.linear.gather [hbm4b:s18+s22], $0x80, $0x38;
	[tilespmem:$0x1F000] =	vst v63  }
0x83: {  	s29 =	simm.s32 $0x1;
	s19 =	rddreg [dreg:$0x19]  }
0x84: {  	[tilespmem:s28], [sflag:$0x2] =	stream.linear.gather [hbm4b:s19+s22], $0x80, $0x38;
	[tilespmem:$0x1F000] =	vst v63  }
0x85: {  	_ =	swait.ge [sflag:s29], $0x80  }
0x86: {  	[sflag:s29] =	ssyncset.done $0x0  }
0x87: {  	[sflag:s29] =	ssyncadd.s32 $0xFFFFFF80  }
0x88: {  	_ =	swait.ge [sflag:s29], $0x80  }
0x89: {  	[sflag:s29] =	ssyncset.done $0x0  }
0x8a: {  	s18 =	simm.s32 $0x0;
	s17 =	rddreg [dreg:$0x1c];
	[sflag:s29] =	ssyncadd.s32 $0xFFFFFF80  }
0x8b: {  	[tilespmem:s23], [sflag:$0x5] =	stream.indirect.gather [hbm4b:s0+s26], $0x80, s22, s26, $0xb8;
	[tilespmem:$0x1F000] =	vst v63  }
.LBB2_8:
0x8c: {  	_ =	swait.ge [sflag:s30], $0x80  }
0x8d: {  	[sflag:s30] =	ssyncset.done $0x0  }
0x8e: {  	[sflag:s30] =	ssyncadd.s32 $0xFFFFFF80  }
0x8f: {  	_ =	swait.ge [sflag:s30], $0x80  }
0x90: {  	p1 =	seq.s32 s22, $0x0;
	[sflag:s30] =	ssyncset.done $0x0  }
0x91: {  	s19 =	simm.s32 @!p1 $0x8;
	[sflag:s30] =	ssyncadd.s32 $0xFFFFFF80  }
0x92: {  	_ =	swait.ge @!p1 [sflag:s19], $0x4000  }
0x93: {  	s8 =	rddreg [dreg:$0x9];
	[sflag:s19] =	ssyncset.done @!p1 $0x0  }
0x94: {  	s7 =	rddreg [dreg:$0xa];
	[sflag:s19] =	ssyncadd.s32 @!p1 $0xFFFFC000;
	s8 =	sadd.s32 s22, s8  }
0x95: {  	[tilespmem:s31], [sflag:$0x3] =	stream.linear.gather [hbm4b:s8+s5], $0x80, $0x38;
	[tilespmem:$0x1F000] =	vst v63  }
0x96: {  	s7 =	sadd.s32 s22, s7  }
0x97: {  	[tilespmem:s2], [sflag:$0x3] =	stream.linear.gather [hbm4b:s7+s5], $0x80, $0x38;
	[tilespmem:$0x1F000] =	vst v63  }
0x98: {  	_ = 	snop  }
0x99: {  	[tilespmem:s4], [sflag:$0x6] =	stream.indirect.gather [hbm4b:s0+s26], $0x80, s26, s26, $0xb8;
	[tilespmem:$0x1F000] =	vst v63  }
0x9a: {  	_ =	swait.ge [sflag:s1], $0x4000  }
0x9b: {  	[sflag:s1] =	ssyncset.done $0x0  }
0x9c: {  	[sflag:s1] =	ssyncadd.s32 $0xFFFFC000  }
0x9d: {  	[spmem:s3] =	stream.indirect.scatter.add.f32 [tilespmem:s23], [sflag:$0x7], $0x80, s25, s26, $0xb8;
	[tilespmem:$0x1F000] =	vst v63  }
0x9e: {  	v6 =	vld [tilespmem:$0x200];
	_ =	sdelay $0x4  }
0x9f: {  	(xrf1) =	vunique.msk.u32 $0xffff, v6;
	_ =	sdelay $0xd  }
0xa0: {  	_, v7, vm0 =	vpop (xrf1);
	_ =	sdelay $0x3  }
0xa1: {  	v7 =	vcvt.s32.f32 v7;
	_ =	sdelay $0x1  }
0xa2: {  	[tilespmem:v6+s9+$0x0] =	vst.idx.add.f32.msk vm0, v7  }
0xa3: {  	v6 =	vld [tilespmem:$0x210];
	_ =	sdelay $0x4  }
0xa4: {  	(xrf1) =	vunique.msk.u32 $0xffff, v6;
	_ =	sdelay $0xd  }
0xa5: {  	_, v7, vm0 =	vpop (xrf1);
	_ =	sdelay $0x3  }
0xa6: {  	v7 =	vcvt.s32.f32 v7;
	_ =	sdelay $0x1  }
0xa7: {  	[tilespmem:v6+s9+$0x0] =	vst.idx.add.f32.msk vm0, v7  }
0xa8: {  	v6 =	vld [tilespmem:$0x220];
	_ =	sdelay $0x4  }
0xa9: {  	(xrf1) =	vunique.msk.u32 $0xffff, v6;
	_ =	sdelay $0xd  }
0xaa: {  	_, v7, vm0 =	vpop (xrf1);
	_ =	sdelay $0x3  }
0xab: {  	v7 =	vcvt.s32.f32 v7;
	_ =	sdelay $0x1  }
0xac: {  	[tilespmem:v6+s9+$0x0] =	vst.idx.add.f32.msk vm0, v7  }
0xad: {  	v6 =	vld [tilespmem:$0x230];
	_ =	sdelay $0x4  }
0xae: {  	(xrf1) =	vunique.msk.u32 $0xffff, v6;
	_ =	sdelay $0xd  }
0xaf: {  	_, v7, vm0 =	vpop (xrf1);
	_ =	sdelay $0x3  }
0xb0: {  	v7 =	vcvt.s32.f32 v7;
	_ =	sdelay $0x1  }
0xb1: {  	[tilespmem:v6+s9+$0x0] =	vst.idx.add.f32.msk vm0, v7  }
0xb2: {  	v6 =	vld [tilespmem:$0x240];
	_ =	sdelay $0x4  }
0xb3: {  	(xrf1) =	vunique.msk.u32 $0xffff, v6;
	_ =	sdelay $0xd  }
0xb4: {  	_, v7, vm0 =	vpop (xrf1);
	_ =	sdelay $0x3  }
0xb5: {  	v7 =	vcvt.s32.f32 v7;
	_ =	sdelay $0x1  }
0xb6: {  	[tilespmem:v6+s9+$0x0] =	vst.idx.add.f32.msk vm0, v7  }
0xb7: {  	v6 =	vld [tilespmem:$0x250];
	_ =	sdelay $0x4  }
0xb8: {  	(xrf1) =	vunique.msk.u32 $0xffff, v6;
	_ =	sdelay $0xd  }
0xb9: {  	_, v7, vm0 =	vpop (xrf1);
	_ =	sdelay $0x3  }
0xba: {  	v7 =	vcvt.s32.f32 v7;
	_ =	sdelay $0x1  }
0xbb: {  	[tilespmem:v6+s9+$0x0] =	vst.idx.add.f32.msk vm0, v7  }
0xbc: {  	v6 =	vld [tilespmem:$0x260];
	_ =	sdelay $0x4  }
0xbd: {  	(xrf1) =	vunique.msk.u32 $0xffff, v6;
	_ =	sdelay $0xd  }
0xbe: {  	_, v7, vm0 =	vpop (xrf1);
	_ =	sdelay $0x3  }
0xbf: {  	v7 =	vcvt.s32.f32 v7;
	_ =	sdelay $0x1  }
0xc0: {  	[tilespmem:v6+s9+$0x0] =	vst.idx.add.f32.msk vm0, v7  }
0xc1: {  	v6 =	vld [tilespmem:$0x270];
	_ =	sdelay $0x4  }
0xc2: {  	(xrf1) =	vunique.msk.u32 $0xffff, v6;
	_ =	sdelay $0xd  }
0xc3: {  	_, v7, vm0 =	vpop (xrf1);
	_ =	sdelay $0x3  }
0xc4: {  	v7 =	vcvt.s32.f32 v7;
	_ =	sdelay $0x1  }
0xc5: {  	[tilespmem:v6+s9+$0x0] =	vst.idx.add.f32.msk vm0, v7  }
0xc6: {  	_ =	swait.ge [sflag:s10], $0x80  }
0xc7: {  	[sflag:s10] =	ssyncset.done $0x0  }
0xc8: {  	[sflag:s10] =	ssyncadd.s32 $0xFFFFFF80  }
0xc9: {  	_ =	swait.ge [sflag:s10], $0x80  }
0xca: {  	[sflag:s10] =	ssyncset.done $0x0  }
0xcb: {  	[sflag:s10] =	ssyncadd.s32 $0xFFFFFF80  }
0xcc: {  	_ =	swait.ge [sflag:s11], $0x4000  }
0xcd: {  	s8 =	rddreg [dreg:$0x7];
	[sflag:s11] =	ssyncset.done $0x0  }
0xce: {  	s19 =	rddreg [dreg:$0x8];
	[sflag:s11] =	ssyncadd.s32 $0xFFFFC000;
	s7 =	sadd.s32 s22, s8  }
0xcf: {  	[tilespmem:s12], [sflag:$0x4] =	stream.linear.gather [hbm4b:s7+s5], $0x80, $0x38;
	[tilespmem:$0x1F000] =	vst v63  }
0xd0: {  	s29 =	sadd.s32 s22, s19  }
0xd1: {  	[tilespmem:s13], [sflag:$0x4] =	stream.linear.gather [hbm4b:s29+s5], $0x80, $0x38;
	[tilespmem:$0x1F000] =	vst v63  }
0xd2: {  	_ = 	snop  }
0xd3: {  	[tilespmem:s23], [sflag:$0x5] =	stream.indirect.gather [hbm4b:s0+s26], $0x80, s31, s26, $0xb8;
	[tilespmem:$0x1F000] =	vst v63  }
0xd4: {  	_ =	swait.ge [sflag:s14], $0x4000  }
0xd5: {  	[sflag:s14] =	ssyncset.done $0x0  }
0xd6: {  	[sflag:s14] =	ssyncadd.s32 $0xFFFFC000  }
0xd7: {  	[spmem:s3] =	stream.indirect.scatter.add.f32 [tilespmem:s4], [sflag:$0x8], $0x80, s28, s26, $0xb8;
	[tilespmem:$0x1F000] =	vst v63  }
0xd8: {  	v6 =	vld [tilespmem:$0x280];
	_ =	sdelay $0x4  }
0xd9: {  	(xrf1) =	vunique.msk.u32 $0xffff, v6;
	_ =	sdelay $0xd  }
0xda: {  	_, v7, vm0 =	vpop (xrf1);
	_ =	sdelay $0x3  }
0xdb: {  	v7 =	vcvt.s32.f32 v7;
	_ =	sdelay $0x1  }
0xdc: {  	[tilespmem:v6+s9+$0x0] =	vst.idx.add.f32.msk vm0, v7  }
0xdd: {  	v6 =	vld [tilespmem:$0x290];
	_ =	sdelay $0x4  }
0xde: {  	(xrf1) =	vunique.msk.u32 $0xffff, v6;
	_ =	sdelay $0xd  }
0xdf: {  	_, v7, vm0 =	vpop (xrf1);
	_ =	sdelay $0x3  }
0xe0: {  	v7 =	vcvt.s32.f32 v7;
	_ =	sdelay $0x1  }
0xe1: {  	[tilespmem:v6+s9+$0x0] =	vst.idx.add.f32.msk vm0, v7  }
0xe2: {  	v6 =	vld [tilespmem:$0x2A0];
	_ =	sdelay $0x4  }
0xe3: {  	(xrf1) =	vunique.msk.u32 $0xffff, v6;
	_ =	sdelay $0xd  }
0xe4: {  	_, v7, vm0 =	vpop (xrf1);
	_ =	sdelay $0x3  }
0xe5: {  	v7 =	vcvt.s32.f32 v7;
	_ =	sdelay $0x1  }
0xe6: {  	[tilespmem:v6+s9+$0x0] =	vst.idx.add.f32.msk vm0, v7  }
0xe7: {  	v6 =	vld [tilespmem:$0x2B0];
	_ =	sdelay $0x4  }
0xe8: {  	(xrf1) =	vunique.msk.u32 $0xffff, v6;
	_ =	sdelay $0xd  }
0xe9: {  	_, v7, vm0 =	vpop (xrf1);
	_ =	sdelay $0x3  }
0xea: {  	v7 =	vcvt.s32.f32 v7;
	_ =	sdelay $0x1  }
0xeb: {  	[tilespmem:v6+s9+$0x0] =	vst.idx.add.f32.msk vm0, v7  }
0xec: {  	v6 =	vld [tilespmem:$0x2C0];
	_ =	sdelay $0x4  }
0xed: {  	(xrf1) =	vunique.msk.u32 $0xffff, v6;
	_ =	sdelay $0xd  }
0xee: {  	_, v7, vm0 =	vpop (xrf1);
	_ =	sdelay $0x3  }
0xef: {  	v7 =	vcvt.s32.f32 v7;
	_ =	sdelay $0x1  }
0xf0: {  	[tilespmem:v6+s9+$0x0] =	vst.idx.add.f32.msk vm0, v7  }
0xf1: {  	v6 =	vld [tilespmem:$0x2D0];
	_ =	sdelay $0x4  }
0xf2: {  	(xrf1) =	vunique.msk.u32 $0xffff, v6;
	_ =	sdelay $0xd  }
0xf3: {  	_, v7, vm0 =	vpop (xrf1);
	_ =	sdelay $0x3  }
0xf4: {  	v7 =	vcvt.s32.f32 v7;
	_ =	sdelay $0x1  }
0xf5: {  	[tilespmem:v6+s9+$0x0] =	vst.idx.add.f32.msk vm0, v7  }
0xf6: {  	v6 =	vld [tilespmem:$0x2E0];
	_ =	sdelay $0x4  }
0xf7: {  	(xrf1) =	vunique.msk.u32 $0xffff, v6;
	_ =	sdelay $0xd  }
0xf8: {  	_, v7, vm0 =	vpop (xrf1);
	_ =	sdelay $0x3  }
0xf9: {  	v7 =	vcvt.s32.f32 v7;
	_ =	sdelay $0x1  }
0xfa: {  	[tilespmem:v6+s9+$0x0] =	vst.idx.add.f32.msk vm0, v7  }
0xfb: {  	v6 =	vld [tilespmem:$0x2F0];
	_ =	sdelay $0x4  }
0xfc: {  	(xrf1) =	vunique.msk.u32 $0xffff, v6;
	_ =	sdelay $0xd  }
0xfd: {  	_, v7, vm0 =	vpop (xrf1);
	_ =	sdelay $0x3  }
0xfe: {  	v7 =	vcvt.s32.f32 v7;
	_ =	sdelay $0x1  }
0xff: {  	[tilespmem:v6+s9+$0x0] =	vst.idx.add.f32.msk vm0, v7  }
0x100: {  	_ =	swait.ge [sflag:s15], $0x80  }
0x101: {  	[sflag:s15] =	ssyncset.done $0x0  }
0x102: {  	[sflag:s15] =	ssyncadd.s32 $0xFFFFFF80  }
0x103: {  	_ =	swait.ge [sflag:s15], $0x80  }
0x104: {  	[sflag:s15] =	ssyncset.done $0x0  }
0x105: {  	[sflag:s15] =	ssyncadd.s32 $0xFFFFFF80  }
0x106: {  	p1 =	seq.s32 s22, $0x4C00;
	_ =	swait.ge [sflag:s16], $0x4000  }
0x107: {  	s19 =	simm.s32 @!p1 $0x0;
	s7 =	sshrl.u32 @!p1 s17, $0x3;
	[sflag:s16] =	ssyncset.done $0x0  }
0x108: {  	s7 =	sadd.s32 @!p1 s6, s7;
	s8 =	rddreg [dreg:$0x6];
	[sflag:s16] =	ssyncadd.s32 $0xFFFFC000  }
0x109: {  	[tilespmem:s19], [sflag:$0x1] =	stream.linear.gather @!p1 [hbm4b:s7+s19], $0x80, $0x38;
	[tilespmem:$0x1F000] =	vst v63  }
0x10a: {  	s7 =	sadd.s32 @!p1 s22, s8;
	s8 =	simm.s32 @!p1 $0x200  }
0x10b: {  	[tilespmem:s8], [sflag:$0x1] =	stream.linear.gather @!p1 [hbm4b:s7+s19], $0x80, $0x38;
	[tilespmem:$0x1F000] =	vst v63  }
0x10c: {  	_ = 	snop  }
0x10d: {  	[tilespmem:s4], [sflag:$0x6] =	stream.indirect.gather [hbm4b:s0+s26], $0x80, s12, s26, $0xb8;
	[tilespmem:$0x1F000] =	vst v63  }
0x10e: {  	_ =	swait.ge [sflag:s1], $0x4000  }
0x10f: {  	[sflag:s1] =	ssyncset.done $0x0  }
0x110: {  	[sflag:s1] =	ssyncadd.s32 $0xFFFFC000  }
0x111: {  	[spmem:s3] =	stream.indirect.scatter.add.f32 [tilespmem:s23], [sflag:$0x7], $0x80, s2, s26, $0xb8;
	[tilespmem:$0x1F000] =	vst v63  }
0x112: {  	v6 =	vld [tilespmem:$0x300];
	_ =	sdelay $0x4  }
0x113: {  	(xrf1) =	vunique.msk.u32 $0xffff, v6;
	_ =	sdelay $0xd  }
0x114: {  	_, v7, vm0 =	vpop (xrf1);
	_ =	sdelay $0x3  }
0x115: {  	v7 =	vcvt.s32.f32 v7;
	_ =	sdelay $0x1  }
0x116: {  	[tilespmem:v6+s9+$0x0] =	vst.idx.add.f32.msk vm0, v7  }
0x117: {  	v6 =	vld [tilespmem:$0x310];
	_ =	sdelay $0x4  }
0x118: {  	(xrf1) =	vunique.msk.u32 $0xffff, v6;
	_ =	sdelay $0xd  }
0x119: {  	_, v7, vm0 =	vpop (xrf1);
	_ =	sdelay $0x3  }
0x11a: {  	v7 =	vcvt.s32.f32 v7;
	_ =	sdelay $0x1  }
0x11b: {  	[tilespmem:v6+s9+$0x0] =	vst.idx.add.f32.msk vm0, v7  }
0x11c: {  	v6 =	vld [tilespmem:$0x320];
	_ =	sdelay $0x4  }
0x11d: {  	(xrf1) =	vunique.msk.u32 $0xffff, v6;
	_ =	sdelay $0xd  }
0x11e: {  	_, v7, vm0 =	vpop (xrf1);
	_ =	sdelay $0x3  }
0x11f: {  	v7 =	vcvt.s32.f32 v7;
	_ =	sdelay $0x1  }
0x120: {  	[tilespmem:v6+s9+$0x0] =	vst.idx.add.f32.msk vm0, v7  }
0x121: {  	v6 =	vld [tilespmem:$0x330];
	_ =	sdelay $0x4  }
0x122: {  	(xrf1) =	vunique.msk.u32 $0xffff, v6;
	_ =	sdelay $0xd  }
0x123: {  	_, v7, vm0 =	vpop (xrf1);
	_ =	sdelay $0x3  }
0x124: {  	v7 =	vcvt.s32.f32 v7;
	_ =	sdelay $0x1  }
0x125: {  	[tilespmem:v6+s9+$0x0] =	vst.idx.add.f32.msk vm0, v7  }
0x126: {  	v6 =	vld [tilespmem:$0x340];
	_ =	sdelay $0x4  }
0x127: {  	(xrf1) =	vunique.msk.u32 $0xffff, v6;
	_ =	sdelay $0xd  }
0x128: {  	_, v7, vm0 =	vpop (xrf1);
	_ =	sdelay $0x3  }
0x129: {  	v7 =	vcvt.s32.f32 v7;
	_ =	sdelay $0x1  }
0x12a: {  	[tilespmem:v6+s9+$0x0] =	vst.idx.add.f32.msk vm0, v7  }
0x12b: {  	v6 =	vld [tilespmem:$0x350];
	_ =	sdelay $0x4  }
0x12c: {  	(xrf1) =	vunique.msk.u32 $0xffff, v6;
	_ =	sdelay $0xd  }
0x12d: {  	_, v7, vm0 =	vpop (xrf1);
	_ =	sdelay $0x3  }
0x12e: {  	v7 =	vcvt.s32.f32 v7;
	_ =	sdelay $0x1  }
0x12f: {  	[tilespmem:v6+s9+$0x0] =	vst.idx.add.f32.msk vm0, v7  }
0x130: {  	v6 =	vld [tilespmem:$0x360];
	_ =	sdelay $0x4  }
0x131: {  	(xrf1) =	vunique.msk.u32 $0xffff, v6;
	_ =	sdelay $0xd  }
0x132: {  	_, v7, vm0 =	vpop (xrf1);
	_ =	sdelay $0x3  }
0x133: {  	v7 =	vcvt.s32.f32 v7;
	_ =	sdelay $0x1  }
0x134: {  	[tilespmem:v6+s9+$0x0] =	vst.idx.add.f32.msk vm0, v7  }
0x135: {  	v6 =	vld [tilespmem:$0x370];
	_ =	sdelay $0x4  }
0x136: {  	(xrf1) =	vunique.msk.u32 $0xffff, v6;
	_ =	sdelay $0xd  }
0x137: {  	_, v7, vm0 =	vpop (xrf1);
	_ =	sdelay $0x3  }
0x138: {  	v7 =	vcvt.s32.f32 v7  }
0x139: {  	p1 =	sgt.u32 s18, $0x25  }
0x13a: {  	s7 =	simm.s32 @!p1 $0x1;
	[tilespmem:v6+s9+$0x0] =	vst.idx.add.f32.msk vm0, v7  }
0x13b: {  	_ =	swait.ge @!p1 [sflag:s7], $0x80  }
0x13c: {  	[sflag:s7] =	ssyncset.done @!p1 $0x0  }
0x13d: {  	[sflag:s7] =	ssyncadd.s32 @!p1 $0xFFFFFF80  }
0x13e: {  	_ =	swait.ge @!p1 [sflag:s7], $0x80  }
0x13f: {  	[sflag:s7] =	ssyncset.done @!p1 $0x0  }
0x140: {  	[sflag:s7] =	ssyncadd.s32 @!p1 $0xFFFFFF80;
	s7 =	simm.s32 @!p1 $0x7  }
0x141: {  	s19 =	simm.s32 @!p1 $0x0;
	_ =	swait.ge @!p1 [sflag:s7], $0x4000  }
0x142: {  	s29 =	simm.s32 @!p1 $0x80;
	s8 =	rddreg [dreg:$0xb];
	[sflag:s7] =	ssyncset.done @!p1 $0x0  }
0x143: {  	[sflag:s7] =	ssyncadd.s32 @!p1 $0xFFFFC000;
	s7 =	rddreg [dreg:$0xc];
	s8 =	sadd.s32 @!p1 s22, s8  }
0x144: {  	[tilespmem:s29], [sflag:$0x2] =	stream.linear.gather @!p1 [hbm4b:s8+s19], $0x80, $0x38;
	[tilespmem:$0x1F000] =	vst v63  }
0x145: {  	s7 =	sadd.s32 @!p1 s22, s7;
	s8 =	simm.s32 @!p1 $0x280  }
0x146: {  	[tilespmem:s8], [sflag:$0x2] =	stream.linear.gather @!p1 [hbm4b:s7+s19], $0x80, $0x38;
	[tilespmem:$0x1F000] =	vst v63  }
0x147: {  	s7 =	simm.s32 @!p1 $0x500  }
0x148: {  	[tilespmem:s7], [sflag:$0x5] =	stream.indirect.gather @!p1 [hbm4b:s0+s29], $0x80, s19, s29, $0xb8;
	[tilespmem:$0x1F000] =	vst v63  }
0x149: {  	_ =	swait.ge [sflag:s14], $0x4000  }
0x14a: {  	[sflag:s14] =	ssyncset.done $0x0  }
0x14b: {  	[sflag:s14] =	ssyncadd.s32 $0xFFFFC000  }
0x14c: {  	[spmem:s3] =	stream.indirect.scatter.add.f32 [tilespmem:s4], [sflag:$0x8], $0x80, s13, s26, $0xb8;
	[tilespmem:$0x1F000] =	vst v63  }
0x14d: {  	v6 =	vld [tilespmem:$0x380];
	_ =	sdelay $0x4  }
0x14e: {  	(xrf1) =	vunique.msk.u32 $0xffff, v6;
	_ =	sdelay $0xd  }
0x14f: {  	_, v7, vm0 =	vpop (xrf1);
	_ =	sdelay $0x3  }
0x150: {  	v7 =	vcvt.s32.f32 v7;
	_ =	sdelay $0x1  }
0x151: {  	[tilespmem:v6+s9+$0x0] =	vst.idx.add.f32.msk vm0, v7  }
0x152: {  	v6 =	vld [tilespmem:$0x390];
	_ =	sdelay $0x4  }
0x153: {  	(xrf1) =	vunique.msk.u32 $0xffff, v6;
	_ =	sdelay $0xd  }
0x154: {  	_, v7, vm0 =	vpop (xrf1);
	_ =	sdelay $0x3  }
0x155: {  	v7 =	vcvt.s32.f32 v7;
	_ =	sdelay $0x1  }
0x156: {  	[tilespmem:v6+s9+$0x0] =	vst.idx.add.f32.msk vm0, v7  }
0x157: {  	v6 =	vld [tilespmem:$0x3A0];
	_ =	sdelay $0x4  }
0x158: {  	(xrf1) =	vunique.msk.u32 $0xffff, v6;
	_ =	sdelay $0xd  }
0x159: {  	_, v7, vm0 =	vpop (xrf1);
	_ =	sdelay $0x3  }
0x15a: {  	v7 =	vcvt.s32.f32 v7;
	_ =	sdelay $0x1  }
0x15b: {  	[tilespmem:v6+s9+$0x0] =	vst.idx.add.f32.msk vm0, v7  }
0x15c: {  	v6 =	vld [tilespmem:$0x3B0];
	_ =	sdelay $0x4  }
0x15d: {  	(xrf1) =	vunique.msk.u32 $0xffff, v6;
	_ =	sdelay $0xd  }
0x15e: {  	_, v7, vm0 =	vpop (xrf1);
	_ =	sdelay $0x3  }
0x15f: {  	v7 =	vcvt.s32.f32 v7;
	_ =	sdelay $0x1  }
0x160: {  	[tilespmem:v6+s9+$0x0] =	vst.idx.add.f32.msk vm0, v7  }
0x161: {  	v6 =	vld [tilespmem:$0x3C0];
	_ =	sdelay $0x4  }
0x162: {  	(xrf1) =	vunique.msk.u32 $0xffff, v6;
	_ =	sdelay $0xd  }
0x163: {  	_, v7, vm0 =	vpop (xrf1);
	_ =	sdelay $0x3  }
0x164: {  	v7 =	vcvt.s32.f32 v7;
	_ =	sdelay $0x1  }
0x165: {  	[tilespmem:v6+s9+$0x0] =	vst.idx.add.f32.msk vm0, v7  }
0x166: {  	v6 =	vld [tilespmem:$0x3D0];
	_ =	sdelay $0x4  }
0x167: {  	(xrf1) =	vunique.msk.u32 $0xffff, v6;
	_ =	sdelay $0xd  }
0x168: {  	_, v7, vm0 =	vpop (xrf1);
	_ =	sdelay $0x3  }
0x169: {  	v7 =	vcvt.s32.f32 v7;
	_ =	sdelay $0x1  }
0x16a: {  	[tilespmem:v6+s9+$0x0] =	vst.idx.add.f32.msk vm0, v7  }
0x16b: {  	v6 =	vld [tilespmem:$0x3E0];
	_ =	sdelay $0x4  }
0x16c: {  	(xrf1) =	vunique.msk.u32 $0xffff, v6;
	_ =	sdelay $0xd  }
0x16d: {  	_, v7, vm0 =	vpop (xrf1);
	_ =	sdelay $0x3  }
0x16e: {  	v7 =	vcvt.s32.f32 v7;
	_ =	sdelay $0x1  }
0x16f: {  	[tilespmem:v6+s9+$0x0] =	vst.idx.add.f32.msk vm0, v7  }
0x170: {  	v6 =	vld [tilespmem:$0x3F0];
	_ =	sdelay $0x4  }
0x171: {  	(xrf1) =	vunique.msk.u32 $0xffff, v6;
	_ =	sdelay $0xd  }
0x172: {  	s22 =	sadd.s32 $0x200, s22;
	_, v7, vm0 =	vpop (xrf1)  }
0x173: {  	p1 =	sne.s32 s22, $0x4E00  }
.Ltmp3:
0x174: {  	_ = 	snop;
	(pc) =	sbr.rel @p1 .LBB2_8-.Ltmp3, $3  }
0x175: {  	_ = 	snop  }
0x176: {  	v7 =	vcvt.s32.f32 v7;
	_ =	sdelay $0x1  }
0x177: {  	s17 =	sadd.s32 $0x1000, s17;
	s18 =	sadd.s32 $0x1, s18;
	[tilespmem:v6+s9+$0x0] =	vst.idx.add.f32.msk vm0, v7  }
0x178: {  	_ =	swait.ge [sflag:s11], $0x4000  }
0x179: {  	[sflag:s11] =	ssyncset.done $0x0  }
0x17a: {  	[sflag:s11] =	ssyncadd.s32 $0xFFFFC000  }
0x17b: {  	_ =	swait.ge [sflag:s16], $0x4000  }
0x17c: {  	[sflag:s16] =	ssyncset.done $0x0  }
0x17d: {  	s8 =	simm.s32 $0x400;
	s7 =	rddreg [dreg:$0x1a];
	[sflag:s16] =	ssyncadd.s32 $0xFFFFC000  }
0x17e: {  	[tilespmem:s8], [sflag:$0xA] =	stream.linear.gather [hbm4b:s7+s5], $0x80, $0x38;
	[tilespmem:$0x1F000] =	vst v63  }
0x17f: {  	_ =	swait.ge [sflag:s24], $0x80  }
0x180: {  	[sflag:s24] =	ssyncset.done $0x0  }
0x181: {  	s17 =	simm.s32 $0x480;
	s29 =	rddreg [dreg:$0x1b];
	[sflag:s24] =	ssyncadd.s32 $0xFFFFFF80  }
0x182: {  	[tilespmem:s17], [sflag:$0xA] =	stream.linear.gather [hbm4b:s29+s5], $0x80, $0x38;
	[tilespmem:$0x1F000] =	vst v63  }
0x183: {  	_ =	swait.ge [sflag:s24], $0x80  }
0x184: {  	[sflag:s24] =	ssyncset.done $0x0  }
0x185: {  	s18 =	simm.s32 $0x20;
	[sflag:s24] =	ssyncadd.s32 $0xFFFFFF80  }
0x186: {  	[tilespmem:s23], [sflag:$0x9] =	stream.indirect.gather [hbm4b:s0+s18], $0x80, s8, s18, $0xb8;
	[tilespmem:$0x1F000] =	vst v63  }
0x187: {  	_ =	swait.ge [sflag:s20], $0x1000  }
0x188: {  	[sflag:s20] =	ssyncset.done $0x0  }
0x189: {  	[sflag:s20] =	ssyncadd.s32 $0xFFFFF000  }
0x18a: {  	[spmem:s3] =	stream.indirect.scatter.add.f32 [tilespmem:s23], [sflag:$0x9], $0x80, s17, s18, $0xb8;
	[tilespmem:$0x1F000] =	vst v63  }
0x18b: {  	_ =	swait.ge [sflag:s20], $0x1000  }
0x18c: {  	[sflag:s20] =	ssyncset.done $0x0  }
0x18d: {  	[sflag:s20] =	ssyncadd.s32 $0xFFFFF000  }
0x18e: {  	v6 =	vld [tilespmem:$0x480];
	_ =	sdelay $0x4  }
0x18f: {  	(xrf1) =	vunique.msk.u32 $0xffff, v6;
	_ =	sdelay $0xd  }
0x190: {  	_, v7, vm0 =	vpop (xrf1);
	_ =	sdelay $0x3  }
0x191: {  	v7 =	vcvt.s32.f32 v7;
	_ =	sdelay $0x1  }
0x192: {  	[tilespmem:v6+s9+$0x0] =	vst.idx.add.f32.msk vm0, v7  }
0x193: {  	v6 =	vld [tilespmem:$0x490];
	_ =	sdelay $0x4  }
0x194: {  	(xrf1) =	vunique.msk.u32 $0xffff, v6;
	_ =	sdelay $0xd  }
0x195: {  	_, v7, vm0 =	vpop (xrf1);
	_ =	sdelay $0x3  }
0x196: {  	v7 =	vcvt.s32.f32 v7;
	_ =	sdelay $0x1  }
0x197: {  	s22 =	simm.s32 $0x50;
	s29 =	simm.s32 $0xAD00;
	s19 =	rddreg [dreg:$0x4];
	[tilespmem:v6+s9+$0x0] =	vst.idx.add.f32.msk vm0, v7  }
0x198: {  	[spmem:s19] =	stream.indirect.scatter.add.f32 [tilespmem:s9], [sflag:$0xA], $0x80, s29, s22, $0xb8;
	[tilespmem:$0x1F000] =	vst v63  }
0x199: {  	_ =	swait.ge [sflag:s24], $0x2800  }
0x19a: {  	[sflag:s24] =	ssyncset.done $0x0  }
0x19b: {  	[sflag:s24] =	ssyncadd.s32 $0xFFFFD800  }
0x19c: {  	s17 =	stileid.u32;
	[bflag:$0x0] =	sbarrier.arrive $0xFFFF  }
0x19d: {  	s7 =	sshll.u32 s17, $0x6;
	s19 =	rddreg [dreg:$0xd]  }
0x19e: {  	s7 =	sor.u32 $0x1C0A, s7;
	s22 =	rddreg [dreg:$0xf];
	s18 =	sshrl.u32 s19, $0x3  }
0x19f: {  	[hbm:s22], [sflag:s7] =	dma.local [spmem:s18], $0x2800  }
0x1a0: {  	_ =	swait.ge [sflag:s24], $0x2800  }
0x1a1: {  	[sflag:s24] =	ssyncset.done $0x0;
	s22 =	rddreg [dreg:$0xe]  }
0x1a2: {  	s17 =	rddreg [dreg:$0x10];
	[sflag:s24] =	ssyncadd.s32 $0xFFFFD800;
	s8 =	sshrl.u32 @!p0 s22, $0x3  }
0x1a3: {  	[hbm:s17], [sflag:s7] =	dma.local @!p0 [spmem:s8], $0x80  }
0x1a4: {  	s7 =	simm.s32 @!p0 $0xA  }
0x1a5: {  	_ =	swait.ge @!p0 [sflag:s7], $0x80  }
0x1a6: {  	s21 =	sadd.s32 $0x1, s21;
	s29 =	rddreg [dreg:$0x11]  }
0x1a7: {  	p1 =	sne.s32 s21, s29  }
.Ltmp4:
0x1a8: {  	_ = 	snop;
	(pc) =	sbr.rel @p1 .LBB2_1-.Ltmp4, $3  }
0x1a9: {  	_ =	sdelay $0x1  }
0x1aa: {  	[sflag:s7] =	ssyncset.done @!p0 $0x0  }
0x1ab: {  	[sflag:s7] =	ssyncadd.s32 @!p0 $0xFFFFFF80  }
0x1ac: {  	_ =	sfence.sel $0x180000  }
0x1ad: {  	[bflag:$0x0] =	sbarrier.arrive $0xFFFF  }
0x1ae: {  	_ =	strace $0x90000047  }
0x1af: {  	s0 =	stileid.u32;
	[bflag:$0x2] =	sbarrier.arrive $0xFFFF  }
0x1b0: {  	p0 =	sne.s32 s0, $0x0;
	s0 =	rddreg [dreg:$0x5]  }
0x1b1: {  	s0 =	sadd.s32 @!p0 $0x100000, s0  }
0x1b2: {  	[sflag:s0] =	ssyncadd.tile.s32 @!p0 $0x1;
	_ =	shalt  }
.Lfunc_end2:
_tile_overlayer_lowered:
.L_overlay_start_2:
0x1b3: {  	(tag) =	ssettag $0x2  }
0x1b4: {  	s0 =	rddreg [dreg:$0x0];
	s2 =	stileid.u32  }
0x1b5: {  	s1 =	rddreg [dreg:$0x1];
	p0 =	sne.s32 s2, $0x0  }
0x1b6: {  	s3 =	rddreg [dreg:$0x2];
	[bflag:$0x3] =	sbarrier.arrive $0xFFFF;
	s2 =	simm.s32 @!p0 $0x1C0A  }
0x1b7: {  	[timem:s3], [sflag:s2] =	dma.local @!p0 [hbm:s0], s1  }
0x1b8: {  	s0 =	simm.s32 @!p0 $0xA  }
0x1b9: {  	_ =	swait.ge @!p0 [sflag:s0], s1  }
0x1ba: {  	s1 =	ssub.s32 @!p0 $0x0, s1;
	[sflag:s0] =	ssyncset.done @!p0 $0x0  }
0x1bb: {  	[sflag:s0] =	ssyncadd.s32 @!p0 s1  }
0x1bc: {  	[bflag:$0x3] =	sbarrier.arrive $0xFFFF  }
0x1bd: {  	_ =	shalt  }

</sc_bundles>
